<compile_context>
chip_gen: v7x
topology: tpu7x:2x2x1
jax: 0.10.2.dev20260603
libtpu: 0.0.44.dev20260713+nightly
codegen_flags: <defaults>
</compile_context>

<pallas_src>
import jax
import jax.numpy as jnp
from jax import lax
from jax.experimental import pallas as pl
from jax.experimental.pallas import tpu as pltpu
import jax.experimental.pallas.tpu_sc as plsc
from jax._src.pallas import mpmd as _mpmd

_B, _C, _T = 1024, 2, 16384
_SEG = 256
_KS = 9
_AMP = 0.08
_BB = 64
_GRID = _B // _BB
_NC, _NS = 2, 16
_NW = _NC * _NS
_SPW = _B // _NW
_WIN = 384


def _tc_body(x_ref, pi_ref, pq_ref, y_ref, amp_ref, pat_ref):
    xb = x_ref[...]
    y_ref[...] = xb
    acc = xb * xb
    w = _T
    while w > 128:
        acc = acc[:, :, :w // 2] + acc[:, :, w // 2:w]
        w //= 2
    ss = jnp.sum(acc, axis=(1, 2))
    amp_ref[0, 0, :] = jnp.sqrt(ss / (_C * _T) + 1e-12)

    @pl.when(pl.program_id(0) == 0)
    def _():
        p = jnp.concatenate([pi_ref[...], pq_ref[...]], axis=0)
        pad = jnp.zeros((2, _KS // 2), dtype=p.dtype)
        pp = jnp.concatenate([pad, p, pad], axis=1)
        sm = pp[:, 0:_SEG]
        for k in range(1, _KS):
            sm = sm + pp[:, k:k + _SEG]
        sm = sm * (1.0 / _KS)
        sm = sm - jnp.mean(sm, axis=1, keepdims=True)
        rms = jnp.sqrt(jnp.mean(sm * sm) + 1e-8)
        pat_ref[...] = sm * (_AMP / rms)


_tc_call = pl.pallas_call(
    _tc_body,
    grid=(_GRID,),
    in_specs=[
        pl.BlockSpec((_BB, _C, _T), lambda i: (i, 0, 0)),
        pl.BlockSpec((1, _SEG), lambda i: (0, 0)),
        pl.BlockSpec((1, _SEG), lambda i: (0, 0)),
    ],
    out_specs=[
        pl.BlockSpec((_BB, _C, _T), lambda i: (i, 0, 0)),
        pl.BlockSpec((1, 1, _BB), lambda i: (i, 0, 0)),
        pl.BlockSpec((2, _SEG), lambda i: (0, 0)),
    ],
    out_shape=[
        jax.ShapeDtypeStruct((_B, _C, _T), jnp.float32),
        jax.ShapeDtypeStruct((_GRID, 1, _BB), jnp.float32),
        jax.ShapeDtypeStruct((2, _SEG), jnp.float32),
    ],
    compiler_params=pltpu.CompilerParams(
        dimension_semantics=("arbitrary",),
        vmem_limit_bytes=120 * 1024 * 1024,
    ),
)


def _sc_body(y_in, amp_h, starts_h, pat_h, y_out,
             starts_v, amp_v, pat_v, win_all, base_v, rel_v, sem):
    del y_in
    cid = lax.axis_index("c")
    sid = lax.axis_index("s")
    wid = sid * _NC + cid
    b0 = wid * _SPW
    pltpu.sync_copy(starts_h.at[pl.ds(b0, _SPW)], starts_v)
    pltpu.sync_copy(amp_h.at[pl.ds(b0, _SPW)], amp_v)
    pltpu.sync_copy(pat_h, pat_v)
    iota = lax.iota(jnp.int32, 16)
    for k in range(_SPW // 16):
        sv = starts_v[pl.ds(k * 16, 16)]
        bv = jnp.minimum(jnp.bitwise_and(sv, -128), _T - _WIN)
        base_v[pl.ds(k * 16, 16)] = bv
        rel_v[pl.ds(k * 16, 16)] = sv - bv

    def start_of(i):
        base = pl.multiple_of(base_v[pl.ds(i, 16)][0], 128)
        return base

    def fire_in(i, carry):
        base = start_of(i)
        pltpu.async_copy(
            y_out.at[b0 + i, :, pl.ds(base, _WIN)], win_all.at[i], sem)
        return carry

    def drain(i, carry):
        pltpu.make_async_copy(
            y_out.at[b0, :, pl.ds(0, _WIN)], win_all.at[0], sem).wait()
        return carry

    def compute(i, carry):
        lane_i = jnp.full((16,), i, jnp.int32)
        r = rel_v[pl.ds(i, 16)][0]
        av = plsc.load_gather(amp_v, [lane_i])
        for ch in range(_C):
            idx0 = jnp.full((16,), ch, jnp.int32)
            for j in range(_SEG // 16):
                chunk = pat_v[pl.ds(ch * _SEG + j * 16, 16)]
                idx1 = iota + (r + j * 16)
                plsc.addupdate_scatter(win_all.at[i], [idx0, idx1], av * chunk)
        return carry

    def fire_out(i, carry):
        base = start_of(i)
        pltpu.async_copy(
            win_all.at[i], y_out.at[b0 + i, :, pl.ds(base, _WIN)], sem)
        return carry

    lax.fori_loop(0, _SPW, fire_in, 0)
    lax.fori_loop(0, _SPW, drain, 0)
    lax.fori_loop(0, _SPW, compute, 0)
    lax.fori_loop(0, _SPW, fire_out, 0)
    lax.fori_loop(0, _SPW, drain, 0)


_sc_mesh = plsc.VectorSubcoreMesh(
    core_axis_name="c", subcore_axis_name="s",
    num_cores=_NC, num_subcores=_NS,
)

_sc_call = _mpmd._mpmd_map(
    [(_sc_mesh, _sc_body)],
    out_types=jax.ShapeDtypeStruct((_B, _C, _T), jnp.float32),
    input_output_aliases={0: 0},
    compiler_params=pltpu.CompilerParams(needs_layout_passes=False),
    scratch_types=[
        pltpu.VMEM((_SPW,), jnp.int32),
        pltpu.VMEM((_SPW,), jnp.float32),
        pltpu.VMEM((2 * _SEG,), jnp.float32),
        pltpu.VMEM((_SPW, _C, _WIN), jnp.float32),
        pltpu.VMEM((_SPW + 16,), jnp.int32),
        pltpu.VMEM((_SPW + 16,), jnp.int32),
        pltpu.SemaphoreType.DMA,
    ],
)


@jax.jit
def kernel(x, starts, pattern_i, pattern_q):
    y, amp3, pat = _tc_call(
        x, pattern_i.reshape(1, _SEG), pattern_q.reshape(1, _SEG))
    out = _sc_call(
        y, amp3.reshape(_B), starts.astype(jnp.int32), pat.reshape(2 * _SEG))
    return out

# --- scband reference (transcript-rebuilt; emitter-appended) ---
"""Pipeline reference for scband-learnable-sparse-trigger-69793218560413 (READ-ONLY COPY).

The authoritative reference and input builder live on the scoring server;
editing this copy changes nothing except your own understanding.
"""

import jax, jax.numpy as jnp
import numpy as np

SEG = 256
KS = 9
AMP = 0.08


def _effective_pattern(pattern_i, pattern_q):
    # stack -> [2, SEG]
    p = jnp.stack([pattern_i, pattern_q], axis=0)
    pad = KS // 2
    # torch avg_pool1d with count_include_pad=True == moving average over zero-padded signal
    pp = jnp.pad(p, ((0, 0), (pad, pad)))
    kern = jnp.ones((KS,), dtype=p.dtype) / KS
    sm = jax.vmap(lambda r: jnp.convolve(r, kern, mode='valid'))(pp)  # [2, SEG]
    sm = sm - sm.mean(axis=1, keepdims=True)
    rms = jnp.sqrt(jnp.mean(sm ** 2) + 1e-08)
    return sm / rms * AMP


def setup_inputs(seed: int = 0) -> dict:
    key = jax.random.key(seed)
    k1, k2, k3, k4 = jax.random.split(key, 4)
    x = jax.random.normal(k1, (1024, 2, 16384), dtype=jnp.float32)
    # starts in [0, 16384 - 256], so every segment fits fully inside the signal
    starts = jax.random.randint(k2, (1024,), 0, 16129)
    pattern_i = jax.random.normal(k3, (SEG,), dtype=jnp.float32)
    pattern_q = jax.random.normal(k4, (SEG,), dtype=jnp.float32)
    return {"x": x, "starts": starts, "pattern_i": pattern_i, "pattern_q": pattern_q}


def reference(x, starts, pattern_i, pattern_q):
    pattern = _effective_pattern(pattern_i, pattern_q)  # [2, SEG]
    # adaptive amplitude: per-sample RMS over (channel, time)
    amp = jnp.sqrt(jnp.mean(x ** 2, axis=(1, 2), keepdims=True) + 1e-12)  # [B,1,1]
    B = x.shape[0]
    S = pattern.shape[1]
    idx = starts[:, None] + jnp.arange(S)  # [B, S] time positions
    add = amp * pattern[None, :, :]  # [B, 2, S]
    b = jnp.arange(B)[:, None, None]
    c = jnp.arange(2)[None, :, None]
    t = idx[:, None, :]
    return x.at[b, c, t].add(add)

if __name__ == "__main__":
    import jax
    _d = setup_inputs()
    print(jax.jit(kernel)(*tuple(_d.values())))

</pallas_src>

<mosaic_0001>
#map = affine_map<(d0, d1) -> (0, 0, 0)>
#map1 = affine_map<(d0, d1) -> (0)>
module attributes {stable_mosaic.version = 14 : i64} {
  func.func @_sc_body(%arg0: i32, %arg1: i32, %arg2: memref<1024x2x16384xf32, #tpu.memory_space<hbm>>, %arg3: memref<1024xf32, #tpu.memory_space<hbm>>, %arg4: memref<1024xi32, #tpu.memory_space<hbm>>, %arg5: memref<512xf32, #tpu.memory_space<hbm>>, %arg6: memref<1024x2x16384xf32, #tpu.memory_space<hbm>>, %arg7: memref<32xi32, #tpu.memory_space<vmem>>, %arg8: memref<32xf32, #tpu.memory_space<vmem>>, %arg9: memref<512xf32, #tpu.memory_space<vmem>>, %arg10: memref<32x2x384xf32, #tpu.memory_space<vmem>>, %arg11: memref<48xi32, #tpu.memory_space<vmem>>, %arg12: memref<48xi32, #tpu.memory_space<vmem>>, %arg13: memref<!tpu.dma_semaphore, #tpu.memory_space<semaphore_mem>>) attributes {dimension_semantics = [#tpu.dimension_semantics<core_parallel>, #tpu.dimension_semantics<subcore_parallel>], iteration_bounds = array<i64: 2, 16>, scalar_prefetch = 0 : i64, scratch_operands = 7 : i64, tpu.core_type = #tpu.core_type<sc_vector_subcore>, window_params = [{transform_indices = #map}, {transform_indices = #map1}, {transform_indices = #map1}, {transform_indices = #map1}, {transform_indices = #map}]} {
    %mul3A = arith.constant 2 : i32
    %mul3A_0 = arith.muli %arg1, %mul3A : i32
    %add3A = arith.addi %mul3A_0, %arg0 : i32
    %mul3A_1 = arith.constant 32 : i32
    %mul3A_2 = arith.muli %add3A, %mul3A_1 : i32
    "tpu.region"() ({
      %run_scoped3A = tpu.sem_alloc : memref<!tpu.dma_semaphore, #tpu.memory_space<semaphore_mem>>
      %dma_start3A = tpu.memref_slice %arg4[%mul3A_2] : memref<1024xi32, #tpu.memory_space<hbm>> -> memref<32xi32, #tpu.memory_space<hbm>>
      %dma_start3A_53 = tpu.memref_slice %arg4[%mul3A_2] : memref<1024xi32, #tpu.memory_space<hbm>> -> memref<32xi32, #tpu.memory_space<hbm>>
      tpu.enqueue_dma source(%dma_start3A_53 : memref<32xi32, #tpu.memory_space<hbm>>) target(%arg7 : memref<32xi32, #tpu.memory_space<vmem>>) target_semaphore(%run_scoped3A : memref<!tpu.dma_semaphore, #tpu.memory_space<semaphore_mem>>)
      %dma_wait3A = tpu.memref_slice %arg4[%mul3A_2] : memref<1024xi32, #tpu.memory_space<hbm>> -> memref<32xi32, #tpu.memory_space<hbm>>
      %dma_wait3A_54 = tpu.memref_slice %arg4[%mul3A_2] : memref<1024xi32, #tpu.memory_space<hbm>> -> memref<32xi32, #tpu.memory_space<hbm>>
      tpu.wait_dma2 semaphore(%run_scoped3A : memref<!tpu.dma_semaphore, #tpu.memory_space<semaphore_mem>>) src(%dma_wait3A_54 : memref<32xi32, #tpu.memory_space<hbm>>) dst(%arg7 : memref<32xi32, #tpu.memory_space<vmem>>)
      tpu.yield
    }) : () -> ()
    "tpu.region"() ({
      %run_scoped3A = tpu.sem_alloc : memref<!tpu.dma_semaphore, #tpu.memory_space<semaphore_mem>>
      %dma_start3A = tpu.memref_slice %arg3[%mul3A_2] : memref<1024xf32, #tpu.memory_space<hbm>> -> memref<32xf32, #tpu.memory_space<hbm>>
      %dma_start3A_53 = tpu.memref_slice %arg3[%mul3A_2] : memref<1024xf32, #tpu.memory_space<hbm>> -> memref<32xf32, #tpu.memory_space<hbm>>
      tpu.enqueue_dma source(%dma_start3A_53 : memref<32xf32, #tpu.memory_space<hbm>>) target(%arg8 : memref<32xf32, #tpu.memory_space<vmem>>) target_semaphore(%run_scoped3A : memref<!tpu.dma_semaphore, #tpu.memory_space<semaphore_mem>>)
      %dma_wait3A = tpu.memref_slice %arg3[%mul3A_2] : memref<1024xf32, #tpu.memory_space<hbm>> -> memref<32xf32, #tpu.memory_space<hbm>>
      %dma_wait3A_54 = tpu.memref_slice %arg3[%mul3A_2] : memref<1024xf32, #tpu.memory_space<hbm>> -> memref<32xf32, #tpu.memory_space<hbm>>
      tpu.wait_dma2 semaphore(%run_scoped3A : memref<!tpu.dma_semaphore, #tpu.memory_space<semaphore_mem>>) src(%dma_wait3A_54 : memref<32xf32, #tpu.memory_space<hbm>>) dst(%arg8 : memref<32xf32, #tpu.memory_space<vmem>>)
      tpu.yield
    }) : () -> ()
    "tpu.region"() ({
      %run_scoped3A = tpu.sem_alloc : memref<!tpu.dma_semaphore, #tpu.memory_space<semaphore_mem>>
      tpu.enqueue_dma source(%arg5 : memref<512xf32, #tpu.memory_space<hbm>>) target(%arg9 : memref<512xf32, #tpu.memory_space<vmem>>) target_semaphore(%run_scoped3A : memref<!tpu.dma_semaphore, #tpu.memory_space<semaphore_mem>>)
      tpu.wait_dma2 semaphore(%run_scoped3A : memref<!tpu.dma_semaphore, #tpu.memory_space<semaphore_mem>>) src(%arg5 : memref<512xf32, #tpu.memory_space<hbm>>) dst(%arg9 : memref<512xf32, #tpu.memory_space<vmem>>)
      tpu.yield
    }) : () -> ()
    %iota3A = tpu.iota {dimensions = array<i32: 0>} : vector<16xi32>
    %get3A = arith.constant 0 : index
    %get3A_3 = tpu.vector_load %arg7[%get3A] {strides = array<i32>} : memref<32xi32, #tpu.memory_space<vmem>>, vector<16xi32>,
    %and3A = arith.constant -128 : i32
    %and3A_4 = vector.broadcast %and3A : i32 to vector<16xi32>
    %and3A_5 = arith.andi %get3A_3, %and3A_4 : vector<16xi32>
    %min3A = arith.constant 16000 : i32
    %min3A_6 = vector.broadcast %min3A : i32 to vector<16xi32>
    %min3A_7 = arith.minsi %and3A_5, %min3A_6 : vector<16xi32>
    %swap3A = arith.constant 0 : index
    %swap3A_8 = tpu.vector_load %arg11[%swap3A] {strides = array<i32>} : memref<48xi32, #tpu.memory_space<vmem>>, vector<16xi32>,
    tpu.vector_store %arg11[%swap3A], %min3A_7 {strides = array<i32>} : memref<48xi32, #tpu.memory_space<vmem>>, vector<16xi32>,
    %sub3A = arith.subi %get3A_3, %min3A_7 : vector<16xi32>
    %swap3A_9 = arith.constant 0 : index
    %swap3A_10 = tpu.vector_load %arg12[%swap3A_9] {strides = array<i32>} : memref<48xi32, #tpu.memory_space<vmem>>, vector<16xi32>,
    tpu.vector_store %arg12[%swap3A_9], %sub3A {strides = array<i32>} : memref<48xi32, #tpu.memory_space<vmem>>, vector<16xi32>,
    %get3A_11 = arith.constant 16 : index
    %get3A_12 = tpu.vector_load %arg7[%get3A_11] {strides = array<i32>} : memref<32xi32, #tpu.memory_space<vmem>>, vector<16xi32>,
    %and3A_13 = arith.constant -128 : i32
    %and3A_14 = vector.broadcast %and3A_13 : i32 to vector<16xi32>
    %and3A_15 = arith.andi %get3A_12, %and3A_14 : vector<16xi32>
    %min3A_16 = arith.constant 16000 : i32
    %min3A_17 = vector.broadcast %min3A_16 : i32 to vector<16xi32>
    %min3A_18 = arith.minsi %and3A_15, %min3A_17 : vector<16xi32>
    %swap3A_19 = arith.constant 16 : index
    %swap3A_20 = tpu.vector_load %arg11[%swap3A_19] {strides = array<i32>} : memref<48xi32, #tpu.memory_space<vmem>>, vector<16xi32>,
    tpu.vector_store %arg11[%swap3A_19], %min3A_18 {strides = array<i32>} : memref<48xi32, #tpu.memory_space<vmem>>, vector<16xi32>,
    %sub3A_21 = arith.subi %get3A_12, %min3A_18 : vector<16xi32>
    %swap3A_22 = arith.constant 16 : index
    %swap3A_23 = tpu.vector_load %arg12[%swap3A_22] {strides = array<i32>} : memref<48xi32, #tpu.memory_space<vmem>>, vector<16xi32>,
    tpu.vector_store %arg12[%swap3A_22], %sub3A_21 {strides = array<i32>} : memref<48xi32, #tpu.memory_space<vmem>>, vector<16xi32>,
    %scan3A = arith.constant 0 : i32
    %scan3A_24 = arith.constant 0 : i32
    %scan3A_25 = arith.constant 32 : i32
    %scan3A_26 = arith.addi %scan3A_24, %scan3A_25 : i32
    %scan3A_27 = arith.constant 1 : i32
    scf.for %scan3A_53 = %scan3A_24 to %scan3A_26 step %scan3A_27  : i32 {
      %get3A_54 = arith.index_cast %scan3A_53 : i32 to index
      %get3A_55 = tpu.vector_load %arg11[%get3A_54] {strides = array<i32>} : memref<48xi32, #tpu.memory_space<vmem>>, vector<16xi32>,
      %slice3A = vector.extract_strided_slice %get3A_55 {offsets = [0], sizes = [1], strides = [1]} : vector<16xi32> to vector<1xi32>
      %squeeze3A = vector.extract %slice3A[0] : i32 from vector<1xi32>
      %multiple_of3A = tpu.assume_multiple %squeeze3A, 128 : i32
      %add3A_56 = arith.addi %mul3A_2, %scan3A_53 : i32
      %dma_start3A = arith.constant 0 : i32
      %dma_start3A_57 = arith.constant 0 : i32
      %dma_start3A_58 = tpu.memref_slice %arg10[%scan3A_53, %dma_start3A, %dma_start3A_57] : memref<32x2x384xf32, #tpu.memory_space<vmem>> -> memref<1x2x384xf32, #tpu.memory_space<vmem>>
      %dma_start3A_59 = tpu.memref_squeeze %dma_start3A_58 : memref<1x2x384xf32, #tpu.memory_space<vmem>> -> memref<2x384xf32, #tpu.memory_space<vmem>>
      %dma_start3A_60 = arith.constant 0 : i32
      %dma_start3A_61 = tpu.memref_slice %arg6[%add3A_56, %dma_start3A_60, %multiple_of3A] : memref<1024x2x16384xf32, #tpu.memory_space<hbm>> -> memref<1x2x384xf32, #tpu.memory_space<hbm>>
      %dma_start3A_62 = tpu.memref_squeeze %dma_start3A_61 : memref<1x2x384xf32, #tpu.memory_space<hbm>> -> memref<2x384xf32, #tpu.memory_space<hbm>>
      %dma_start3A_63 = arith.constant 0 : i32
      %dma_start3A_64 = arith.constant 0 : i32
      %dma_start3A_65 = tpu.memref_slice %arg10[%scan3A_53, %dma_start3A_63, %dma_start3A_64] : memref<32x2x384xf32, #tpu.memory_space<vmem>> -> memref<1x2x384xf32, #tpu.memory_space<vmem>>
      %dma_start3A_66 = tpu.memref_squeeze %dma_start3A_65 : memref<1x2x384xf32, #tpu.memory_space<vmem>> -> memref<2x384xf32, #tpu.memory_space<vmem>>
      %dma_start3A_67 = arith.constant 0 : i32
      %dma_start3A_68 = tpu.memref_slice %arg6[%add3A_56, %dma_start3A_67, %multiple_of3A] : memref<1024x2x16384xf32, #tpu.memory_space<hbm>> -> memref<1x2x384xf32, #tpu.memory_space<hbm>>
      %dma_start3A_69 = tpu.memref_squeeze %dma_start3A_68 : memref<1x2x384xf32, #tpu.memory_space<hbm>> -> memref<2x384xf32, #tpu.memory_space<hbm>>
      tpu.enqueue_dma source(%dma_start3A_69 : memref<2x384xf32, #tpu.memory_space<hbm>>) target(%dma_start3A_66 : memref<2x384xf32, #tpu.memory_space<vmem>>) target_semaphore(%arg13 : memref<!tpu.dma_semaphore, #tpu.memory_space<semaphore_mem>>)
    }
    %scan3A_28 = arith.constant 32 : i32
    %scan3A_29 = arith.constant 0 : i32
    %scan3A_30 = arith.constant 0 : i32
    %scan3A_31 = arith.constant 32 : i32
    %scan3A_32 = arith.addi %scan3A_30, %scan3A_31 : i32
    %scan3A_33 = arith.constant 1 : i32
    scf.for %scan3A_53 = %scan3A_30 to %scan3A_32 step %scan3A_33  : i32 {
      %dma_wait3A = arith.constant 0 : i32
      %dma_wait3A_54 = arith.constant 0 : i32
      %dma_wait3A_55 = arith.constant 0 : i32
      %dma_wait3A_56 = tpu.memref_slice %arg10[%dma_wait3A, %dma_wait3A_54, %dma_wait3A_55] : memref<32x2x384xf32, #tpu.memory_space<vmem>> -> memref<1x2x384xf32, #tpu.memory_space<vmem>>
      %dma_wait3A_57 = tpu.memref_squeeze %dma_wait3A_56 : memref<1x2x384xf32, #tpu.memory_space<vmem>> -> memref<2x384xf32, #tpu.memory_space<vmem>>
      %dma_wait3A_58 = arith.constant 0 : i32
      %dma_wait3A_59 = arith.constant 0 : i32
      %dma_wait3A_60 = tpu.memref_slice %arg6[%mul3A_2, %dma_wait3A_58, %dma_wait3A_59] : memref<1024x2x16384xf32, #tpu.memory_space<hbm>> -> memref<1x2x384xf32, #tpu.memory_space<hbm>>
      %dma_wait3A_61 = tpu.memref_squeeze %dma_wait3A_60 : memref<1x2x384xf32, #tpu.memory_space<hbm>> -> memref<2x384xf32, #tpu.memory_space<hbm>>
      %dma_wait3A_62 = arith.constant 0 : i32
      %dma_wait3A_63 = arith.constant 0 : i32
      %dma_wait3A_64 = tpu.memref_slice %arg10[%dma_wait3A, %dma_wait3A_62, %dma_wait3A_63] : memref<32x2x384xf32, #tpu.memory_space<vmem>> -> memref<1x2x384xf32, #tpu.memory_space<vmem>>
      %dma_wait3A_65 = tpu.memref_squeeze %dma_wait3A_64 : memref<1x2x384xf32, #tpu.memory_space<vmem>> -> memref<2x384xf32, #tpu.memory_space<vmem>>
      %dma_wait3A_66 = arith.constant 0 : i32
      %dma_wait3A_67 = arith.constant 0 : i32
      %dma_wait3A_68 = tpu.memref_slice %arg6[%mul3A_2, %dma_wait3A_66, %dma_wait3A_67] : memref<1024x2x16384xf32, #tpu.memory_space<hbm>> -> memref<1x2x384xf32, #tpu.memory_space<hbm>>
      %dma_wait3A_69 = tpu.memref_squeeze %dma_wait3A_68 : memref<1x2x384xf32, #tpu.memory_space<hbm>> -> memref<2x384xf32, #tpu.memory_space<hbm>>
      tpu.wait_dma2 semaphore(%arg13 : memref<!tpu.dma_semaphore, #tpu.memory_space<semaphore_mem>>) src(%dma_wait3A_69 : memref<2x384xf32, #tpu.memory_space<hbm>>) dst(%dma_wait3A_65 : memref<2x384xf32, #tpu.memory_space<vmem>>)
    }
    %scan3A_34 = arith.constant 32 : i32
    %scan3A_35 = arith.constant 0 : i32
    %scan3A_36 = arith.constant 0 : i32
    %scan3A_37 = arith.constant 32 : i32
    %scan3A_38 = arith.addi %scan3A_36, %scan3A_37 : i32
    %scan3A_39 = arith.constant 1 : i32
    scf.for %scan3A_53 = %scan3A_36 to %scan3A_38 step %scan3A_39  : i32 {
      %broadcast_in_dim3A = vector.broadcast %scan3A_53 : i32 to vector<16xi32>
      %get3A_54 = arith.index_cast %scan3A_53 : i32 to index
      %get3A_55 = tpu.vector_load %arg12[%get3A_54] {strides = array<i32>} : memref<48xi32, #tpu.memory_space<vmem>>, vector<16xi32>,
      %slice3A = vector.extract_strided_slice %get3A_55 {offsets = [0], sizes = [1], strides = [1]} : vector<16xi32> to vector<1xi32>
      %squeeze3A = vector.extract %slice3A[0] : i32 from vector<1xi32>
      %gather3A = tpu.vector_load_idx %arg8[%broadcast_in_dim3A] : memref<32xf32, #tpu.memory_space<vmem>>[vector<16xi32>], vector<16xf32>,
      %broadcast_in_dim3A_56 = arith.constant 0 : i32
      %broadcast_in_dim3A_57 = vector.broadcast %broadcast_in_dim3A_56 : i32 to vector<16xi32>
      %get3A_58 = arith.constant 0 : index
      %get3A_59 = tpu.vector_load %arg9[%get3A_58] {strides = array<i32>} : memref<512xf32, #tpu.memory_space<vmem>>, vector<16xf32>,
      %add3A_60 = arith.constant 0 : i32
      %add3A_61 = arith.addi %squeeze3A, %add3A_60 : i32
      %add3A_62 = vector.broadcast %add3A_61 : i32 to vector<16xi32>
      %add3A_63 = arith.addi %iota3A, %add3A_62 : vector<16xi32>
      %mul3A_64 = arith.mulf %gather3A, %get3A_59 : vector<16xf32>
      %scatter3A = arith.constant 0 : i32
      %scatter3A_65 = arith.constant 0 : i32
      %scatter3A_66 = tpu.memref_slice %arg10[%scan3A_53, %scatter3A, %scatter3A_65] : memref<32x2x384xf32, #tpu.memory_space<vmem>> -> memref<1x2x384xf32, #tpu.memory_space<vmem>>
      %scatter3A_67 = tpu.memref_squeeze %scatter3A_66 : memref<1x2x384xf32, #tpu.memory_space<vmem>> -> memref<2x384xf32, #tpu.memory_space<vmem>>
      tpu.vector_store_idx %scatter3A_67[%broadcast_in_dim3A_57, %add3A_63], %mul3A_64 {add = true} : memref<2x384xf32, #tpu.memory_space<vmem>>[vector<16xi32>, vector<16xi32>], vector<16xf32>,
      %get3A_68 = arith.constant 16 : index
      %get3A_69 = tpu.vector_load %arg9[%get3A_68] {strides = array<i32>} : memref<512xf32, #tpu.memory_space<vmem>>, vector<16xf32>,
      %add3A_70 = arith.constant 16 : i32
      %add3A_71 = arith.addi %squeeze3A, %add3A_70 : i32
      %add3A_72 = vector.broadcast %add3A_71 : i32 to vector<16xi32>
      %add3A_73 = arith.addi %iota3A, %add3A_72 : vector<16xi32>
      %mul3A_74 = arith.mulf %gather3A, %get3A_69 : vector<16xf32>
      %scatter3A_75 = arith.constant 0 : i32
      %scatter3A_76 = arith.constant 0 : i32
      %scatter3A_77 = tpu.memref_slice %arg10[%scan3A_53, %scatter3A_75, %scatter3A_76] : memref<32x2x384xf32, #tpu.memory_space<vmem>> -> memref<1x2x384xf32, #tpu.memory_space<vmem>>
      %scatter3A_78 = tpu.memref_squeeze %scatter3A_77 : memref<1x2x384xf32, #tpu.memory_space<vmem>> -> memref<2x384xf32, #tpu.memory_space<vmem>>
      tpu.vector_store_idx %scatter3A_78[%broadcast_in_dim3A_57, %add3A_73], %mul3A_74 {add = true} : memref<2x384xf32, #tpu.memory_space<vmem>>[vector<16xi32>, vector<16xi32>], vector<16xf32>,
      %get3A_79 = arith.constant 32 : index
      %get3A_80 = tpu.vector_load %arg9[%get3A_79] {strides = array<i32>} : memref<512xf32, #tpu.memory_space<vmem>>, vector<16xf32>,
      %add3A_81 = arith.constant 32 : i32
      %add3A_82 = arith.addi %squeeze3A, %add3A_81 : i32
      %add3A_83 = vector.broadcast %add3A_82 : i32 to vector<16xi32>
      %add3A_84 = arith.addi %iota3A, %add3A_83 : vector<16xi32>
      %mul3A_85 = arith.mulf %gather3A, %get3A_80 : vector<16xf32>
      %scatter3A_86 = arith.constant 0 : i32
      %scatter3A_87 = arith.constant 0 : i32
      %scatter3A_88 = tpu.memref_slice %arg10[%scan3A_53, %scatter3A_86, %scatter3A_87] : memref<32x2x384xf32, #tpu.memory_space<vmem>> -> memref<1x2x384xf32, #tpu.memory_space<vmem>>
      %scatter3A_89 = tpu.memref_squeeze %scatter3A_88 : memref<1x2x384xf32, #tpu.memory_space<vmem>> -> memref<2x384xf32, #tpu.memory_space<vmem>>
      tpu.vector_store_idx %scatter3A_89[%broadcast_in_dim3A_57, %add3A_84], %mul3A_85 {add = true} : memref<2x384xf32, #tpu.memory_space<vmem>>[vector<16xi32>, vector<16xi32>], vector<16xf32>,
      %get3A_90 = arith.constant 48 : index
      %get3A_91 = tpu.vector_load %arg9[%get3A_90] {strides = array<i32>} : memref<512xf32, #tpu.memory_space<vmem>>, vector<16xf32>,
      %add3A_92 = arith.constant 48 : i32
      %add3A_93 = arith.addi %squeeze3A, %add3A_92 : i32
      %add3A_94 = vector.broadcast %add3A_93 : i32 to vector<16xi32>
      %add3A_95 = arith.addi %iota3A, %add3A_94 : vector<16xi32>
      %mul3A_96 = arith.mulf %gather3A, %get3A_91 : vector<16xf32>
      %scatter3A_97 = arith.constant 0 : i32
      %scatter3A_98 = arith.constant 0 : i32
      %scatter3A_99 = tpu.memref_slice %arg10[%scan3A_53, %scatter3A_97, %scatter3A_98] : memref<32x2x384xf32, #tpu.memory_space<vmem>> -> memref<1x2x384xf32, #tpu.memory_space<vmem>>
      %scatter3A_100 = tpu.memref_squeeze %scatter3A_99 : memref<1x2x384xf32, #tpu.memory_space<vmem>> -> memref<2x384xf32, #tpu.memory_space<vmem>>
      tpu.vector_store_idx %scatter3A_100[%broadcast_in_dim3A_57, %add3A_95], %mul3A_96 {add = true} : memref<2x384xf32, #tpu.memory_space<vmem>>[vector<16xi32>, vector<16xi32>], vector<16xf32>,
      %get3A_101 = arith.constant 64 : index
      %get3A_102 = tpu.vector_load %arg9[%get3A_101] {strides = array<i32>} : memref<512xf32, #tpu.memory_space<vmem>>, vector<16xf32>,
      %add3A_103 = arith.constant 64 : i32
      %add3A_104 = arith.addi %squeeze3A, %add3A_103 : i32
      %add3A_105 = vector.broadcast %add3A_104 : i32 to vector<16xi32>
      %add3A_106 = arith.addi %iota3A, %add3A_105 : vector<16xi32>
      %mul3A_107 = arith.mulf %gather3A, %get3A_102 : vector<16xf32>
      %scatter3A_108 = arith.constant 0 : i32
      %scatter3A_109 = arith.constant 0 : i32
      %scatter3A_110 = tpu.memref_slice %arg10[%scan3A_53, %scatter3A_108, %scatter3A_109] : memref<32x2x384xf32, #tpu.memory_space<vmem>> -> memref<1x2x384xf32, #tpu.memory_space<vmem>>
      %scatter3A_111 = tpu.memref_squeeze %scatter3A_110 : memref<1x2x384xf32, #tpu.memory_space<vmem>> -> memref<2x384xf32, #tpu.memory_space<vmem>>
      tpu.vector_store_idx %scatter3A_111[%broadcast_in_dim3A_57, %add3A_106], %mul3A_107 {add = true} : memref<2x384xf32, #tpu.memory_space<vmem>>[vector<16xi32>, vector<16xi32>], vector<16xf32>,
      %get3A_112 = arith.constant 80 : index
      %get3A_113 = tpu.vector_load %arg9[%get3A_112] {strides = array<i32>} : memref<512xf32, #tpu.memory_space<vmem>>, vector<16xf32>,
      %add3A_114 = arith.constant 80 : i32
      %add3A_115 = arith.addi %squeeze3A, %add3A_114 : i32
      %add3A_116 = vector.broadcast %add3A_115 : i32 to vector<16xi32>
      %add3A_117 = arith.addi %iota3A, %add3A_116 : vector<16xi32>
      %mul3A_118 = arith.mulf %gather3A, %get3A_113 : vector<16xf32>
      %scatter3A_119 = arith.constant 0 : i32
      %scatter3A_120 = arith.constant 0 : i32
      %scatter3A_121 = tpu.memref_slice %arg10[%scan3A_53, %scatter3A_119, %scatter3A_120] : memref<32x2x384xf32, #tpu.memory_space<vmem>> -> memref<1x2x384xf32, #tpu.memory_space<vmem>>
      %scatter3A_122 = tpu.memref_squeeze %scatter3A_121 : memref<1x2x384xf32, #tpu.memory_space<vmem>> -> memref<2x384xf32, #tpu.memory_space<vmem>>
      tpu.vector_store_idx %scatter3A_122[%broadcast_in_dim3A_57, %add3A_117], %mul3A_118 {add = true} : memref<2x384xf32, #tpu.memory_space<vmem>>[vector<16xi32>, vector<16xi32>], vector<16xf32>,
      %get3A_123 = arith.constant 96 : index
      %get3A_124 = tpu.vector_load %arg9[%get3A_123] {strides = array<i32>} : memref<512xf32, #tpu.memory_space<vmem>>, vector<16xf32>,
      %add3A_125 = arith.constant 96 : i32
      %add3A_126 = arith.addi %squeeze3A, %add3A_125 : i32
      %add3A_127 = vector.broadcast %add3A_126 : i32 to vector<16xi32>
      %add3A_128 = arith.addi %iota3A, %add3A_127 : vector<16xi32>
      %mul3A_129 = arith.mulf %gather3A, %get3A_124 : vector<16xf32>
      %scatter3A_130 = arith.constant 0 : i32
      %scatter3A_131 = arith.constant 0 : i32
      %scatter3A_132 = tpu.memref_slice %arg10[%scan3A_53, %scatter3A_130, %scatter3A_131] : memref<32x2x384xf32, #tpu.memory_space<vmem>> -> memref<1x2x384xf32, #tpu.memory_space<vmem>>
      %scatter3A_133 = tpu.memref_squeeze %scatter3A_132 : memref<1x2x384xf32, #tpu.memory_space<vmem>> -> memref<2x384xf32, #tpu.memory_space<vmem>>
      tpu.vector_store_idx %scatter3A_133[%broadcast_in_dim3A_57, %add3A_128], %mul3A_129 {add = true} : memref<2x384xf32, #tpu.memory_space<vmem>>[vector<16xi32>, vector<16xi32>], vector<16xf32>,
      %get3A_134 = arith.constant 112 : index
      %get3A_135 = tpu.vector_load %arg9[%get3A_134] {strides = array<i32>} : memref<512xf32, #tpu.memory_space<vmem>>, vector<16xf32>,
      %add3A_136 = arith.constant 112 : i32
      %add3A_137 = arith.addi %squeeze3A, %add3A_136 : i32
      %add3A_138 = vector.broadcast %add3A_137 : i32 to vector<16xi32>
      %add3A_139 = arith.addi %iota3A, %add3A_138 : vector<16xi32>
      %mul3A_140 = arith.mulf %gather3A, %get3A_135 : vector<16xf32>
      %scatter3A_141 = arith.constant 0 : i32
      %scatter3A_142 = arith.constant 0 : i32
      %scatter3A_143 = tpu.memref_slice %arg10[%scan3A_53, %scatter3A_141, %scatter3A_142] : memref<32x2x384xf32, #tpu.memory_space<vmem>> -> memref<1x2x384xf32, #tpu.memory_space<vmem>>
      %scatter3A_144 = tpu.memref_squeeze %scatter3A_143 : memref<1x2x384xf32, #tpu.memory_space<vmem>> -> memref<2x384xf32, #tpu.memory_space<vmem>>
      tpu.vector_store_idx %scatter3A_144[%broadcast_in_dim3A_57, %add3A_139], %mul3A_140 {add = true} : memref<2x384xf32, #tpu.memory_space<vmem>>[vector<16xi32>, vector<16xi32>], vector<16xf32>,
      %get3A_145 = arith.constant 128 : index
      %get3A_146 = tpu.vector_load %arg9[%get3A_145] {strides = array<i32>} : memref<512xf32, #tpu.memory_space<vmem>>, vector<16xf32>,
      %add3A_147 = arith.constant 128 : i32
      %add3A_148 = arith.addi %squeeze3A, %add3A_147 : i32
      %add3A_149 = vector.broadcast %add3A_148 : i32 to vector<16xi32>
      %add3A_150 = arith.addi %iota3A, %add3A_149 : vector<16xi32>
      %mul3A_151 = arith.mulf %gather3A, %get3A_146 : vector<16xf32>
      %scatter3A_152 = arith.constant 0 : i32
      %scatter3A_153 = arith.constant 0 : i32
      %scatter3A_154 = tpu.memref_slice %arg10[%scan3A_53, %scatter3A_152, %scatter3A_153] : memref<32x2x384xf32, #tpu.memory_space<vmem>> -> memref<1x2x384xf32, #tpu.memory_space<vmem>>
      %scatter3A_155 = tpu.memref_squeeze %scatter3A_154 : memref<1x2x384xf32, #tpu.memory_space<vmem>> -> memref<2x384xf32, #tpu.memory_space<vmem>>
      tpu.vector_store_idx %scatter3A_155[%broadcast_in_dim3A_57, %add3A_150], %mul3A_151 {add = true} : memref<2x384xf32, #tpu.memory_space<vmem>>[vector<16xi32>, vector<16xi32>], vector<16xf32>,
      %get3A_156 = arith.constant 144 : index
      %get3A_157 = tpu.vector_load %arg9[%get3A_156] {strides = array<i32>} : memref<512xf32, #tpu.memory_space<vmem>>, vector<16xf32>,
      %add3A_158 = arith.constant 144 : i32
      %add3A_159 = arith.addi %squeeze3A, %add3A_158 : i32
      %add3A_160 = vector.broadcast %add3A_159 : i32 to vector<16xi32>
      %add3A_161 = arith.addi %iota3A, %add3A_160 : vector<16xi32>
      %mul3A_162 = arith.mulf %gather3A, %get3A_157 : vector<16xf32>
      %scatter3A_163 = arith.constant 0 : i32
      %scatter3A_164 = arith.constant 0 : i32
      %scatter3A_165 = tpu.memref_slice %arg10[%scan3A_53, %scatter3A_163, %scatter3A_164] : memref<32x2x384xf32, #tpu.memory_space<vmem>> -> memref<1x2x384xf32, #tpu.memory_space<vmem>>
      %scatter3A_166 = tpu.memref_squeeze %scatter3A_165 : memref<1x2x384xf32, #tpu.memory_space<vmem>> -> memref<2x384xf32, #tpu.memory_space<vmem>>
      tpu.vector_store_idx %scatter3A_166[%broadcast_in_dim3A_57, %add3A_161], %mul3A_162 {add = true} : memref<2x384xf32, #tpu.memory_space<vmem>>[vector<16xi32>, vector<16xi32>], vector<16xf32>,
      %get3A_167 = arith.constant 160 : index
      %get3A_168 = tpu.vector_load %arg9[%get3A_167] {strides = array<i32>} : memref<512xf32, #tpu.memory_space<vmem>>, vector<16xf32>,
      %add3A_169 = arith.constant 160 : i32
      %add3A_170 = arith.addi %squeeze3A, %add3A_169 : i32
      %add3A_171 = vector.broadcast %add3A_170 : i32 to vector<16xi32>
      %add3A_172 = arith.addi %iota3A, %add3A_171 : vector<16xi32>
      %mul3A_173 = arith.mulf %gather3A, %get3A_168 : vector<16xf32>
      %scatter3A_174 = arith.constant 0 : i32
      %scatter3A_175 = arith.constant 0 : i32
      %scatter3A_176 = tpu.memref_slice %arg10[%scan3A_53, %scatter3A_174, %scatter3A_175] : memref<32x2x384xf32, #tpu.memory_space<vmem>> -> memref<1x2x384xf32, #tpu.memory_space<vmem>>
      %scatter3A_177 = tpu.memref_squeeze %scatter3A_176 : memref<1x2x384xf32, #tpu.memory_space<vmem>> -> memref<2x384xf32, #tpu.memory_space<vmem>>
      tpu.vector_store_idx %scatter3A_177[%broadcast_in_dim3A_57, %add3A_172], %mul3A_173 {add = true} : memref<2x384xf32, #tpu.memory_space<vmem>>[vector<16xi32>, vector<16xi32>], vector<16xf32>,
      %get3A_178 = arith.constant 176 : index
      %get3A_179 = tpu.vector_load %arg9[%get3A_178] {strides = array<i32>} : memref<512xf32, #tpu.memory_space<vmem>>, vector<16xf32>,
      %add3A_180 = arith.constant 176 : i32
      %add3A_181 = arith.addi %squeeze3A, %add3A_180 : i32
      %add3A_182 = vector.broadcast %add3A_181 : i32 to vector<16xi32>
      %add3A_183 = arith.addi %iota3A, %add3A_182 : vector<16xi32>
      %mul3A_184 = arith.mulf %gather3A, %get3A_179 : vector<16xf32>
      %scatter3A_185 = arith.constant 0 : i32
      %scatter3A_186 = arith.constant 0 : i32
      %scatter3A_187 = tpu.memref_slice %arg10[%scan3A_53, %scatter3A_185, %scatter3A_186] : memref<32x2x384xf32, #tpu.memory_space<vmem>> -> memref<1x2x384xf32, #tpu.memory_space<vmem>>
      %scatter3A_188 = tpu.memref_squeeze %scatter3A_187 : memref<1x2x384xf32, #tpu.memory_space<vmem>> -> memref<2x384xf32, #tpu.memory_space<vmem>>
      tpu.vector_store_idx %scatter3A_188[%broadcast_in_dim3A_57, %add3A_183], %mul3A_184 {add = true} : memref<2x384xf32, #tpu.memory_space<vmem>>[vector<16xi32>, vector<16xi32>], vector<16xf32>,
      %get3A_189 = arith.constant 192 : index
      %get3A_190 = tpu.vector_load %arg9[%get3A_189] {strides = array<i32>} : memref<512xf32, #tpu.memory_space<vmem>>, vector<16xf32>,
      %add3A_191 = arith.constant 192 : i32
      %add3A_192 = arith.addi %squeeze3A, %add3A_191 : i32
      %add3A_193 = vector.broadcast %add3A_192 : i32 to vector<16xi32>
      %add3A_194 = arith.addi %iota3A, %add3A_193 : vector<16xi32>
      %mul3A_195 = arith.mulf %gather3A, %get3A_190 : vector<16xf32>
      %scatter3A_196 = arith.constant 0 : i32
      %scatter3A_197 = arith.constant 0 : i32
      %scatter3A_198 = tpu.memref_slice %arg10[%scan3A_53, %scatter3A_196, %scatter3A_197] : memref<32x2x384xf32, #tpu.memory_space<vmem>> -> memref<1x2x384xf32, #tpu.memory_space<vmem>>
      %scatter3A_199 = tpu.memref_squeeze %scatter3A_198 : memref<1x2x384xf32, #tpu.memory_space<vmem>> -> memref<2x384xf32, #tpu.memory_space<vmem>>
      tpu.vector_store_idx %scatter3A_199[%broadcast_in_dim3A_57, %add3A_194], %mul3A_195 {add = true} : memref<2x384xf32, #tpu.memory_space<vmem>>[vector<16xi32>, vector<16xi32>], vector<16xf32>,
      %get3A_200 = arith.constant 208 : index
      %get3A_201 = tpu.vector_load %arg9[%get3A_200] {strides = array<i32>} : memref<512xf32, #tpu.memory_space<vmem>>, vector<16xf32>,
      %add3A_202 = arith.constant 208 : i32
      %add3A_203 = arith.addi %squeeze3A, %add3A_202 : i32
      %add3A_204 = vector.broadcast %add3A_203 : i32 to vector<16xi32>
      %add3A_205 = arith.addi %iota3A, %add3A_204 : vector<16xi32>
      %mul3A_206 = arith.mulf %gather3A, %get3A_201 : vector<16xf32>
      %scatter3A_207 = arith.constant 0 : i32
      %scatter3A_208 = arith.constant 0 : i32
      %scatter3A_209 = tpu.memref_slice %arg10[%scan3A_53, %scatter3A_207, %scatter3A_208] : memref<32x2x384xf32, #tpu.memory_space<vmem>> -> memref<1x2x384xf32, #tpu.memory_space<vmem>>
      %scatter3A_210 = tpu.memref_squeeze %scatter3A_209 : memref<1x2x384xf32, #tpu.memory_space<vmem>> -> memref<2x384xf32, #tpu.memory_space<vmem>>
      tpu.vector_store_idx %scatter3A_210[%broadcast_in_dim3A_57, %add3A_205], %mul3A_206 {add = true} : memref<2x384xf32, #tpu.memory_space<vmem>>[vector<16xi32>, vector<16xi32>], vector<16xf32>,
      %get3A_211 = arith.constant 224 : index
      %get3A_212 = tpu.vector_load %arg9[%get3A_211] {strides = array<i32>} : memref<512xf32, #tpu.memory_space<vmem>>, vector<16xf32>,
      %add3A_213 = arith.constant 224 : i32
      %add3A_214 = arith.addi %squeeze3A, %add3A_213 : i32
      %add3A_215 = vector.broadcast %add3A_214 : i32 to vector<16xi32>
      %add3A_216 = arith.addi %iota3A, %add3A_215 : vector<16xi32>
      %mul3A_217 = arith.mulf %gather3A, %get3A_212 : vector<16xf32>
      %scatter3A_218 = arith.constant 0 : i32
      %scatter3A_219 = arith.constant 0 : i32
      %scatter3A_220 = tpu.memref_slice %arg10[%scan3A_53, %scatter3A_218, %scatter3A_219] : memref<32x2x384xf32, #tpu.memory_space<vmem>> -> memref<1x2x384xf32, #tpu.memory_space<vmem>>
      %scatter3A_221 = tpu.memref_squeeze %scatter3A_220 : memref<1x2x384xf32, #tpu.memory_space<vmem>> -> memref<2x384xf32, #tpu.memory_space<vmem>>
      tpu.vector_store_idx %scatter3A_221[%broadcast_in_dim3A_57, %add3A_216], %mul3A_217 {add = true} : memref<2x384xf32, #tpu.memory_space<vmem>>[vector<16xi32>, vector<16xi32>], vector<16xf32>,
      %get3A_222 = arith.constant 240 : index
      %get3A_223 = tpu.vector_load %arg9[%get3A_222] {strides = array<i32>} : memref<512xf32, #tpu.memory_space<vmem>>, vector<16xf32>,
      %add3A_224 = arith.constant 240 : i32
      %add3A_225 = arith.addi %squeeze3A, %add3A_224 : i32
      %add3A_226 = vector.broadcast %add3A_225 : i32 to vector<16xi32>
      %add3A_227 = arith.addi %iota3A, %add3A_226 : vector<16xi32>
      %mul3A_228 = arith.mulf %gather3A, %get3A_223 : vector<16xf32>
      %scatter3A_229 = arith.constant 0 : i32
      %scatter3A_230 = arith.constant 0 : i32
      %scatter3A_231 = tpu.memref_slice %arg10[%scan3A_53, %scatter3A_229, %scatter3A_230] : memref<32x2x384xf32, #tpu.memory_space<vmem>> -> memref<1x2x384xf32, #tpu.memory_space<vmem>>
      %scatter3A_232 = tpu.memref_squeeze %scatter3A_231 : memref<1x2x384xf32, #tpu.memory_space<vmem>> -> memref<2x384xf32, #tpu.memory_space<vmem>>
      tpu.vector_store_idx %scatter3A_232[%broadcast_in_dim3A_57, %add3A_227], %mul3A_228 {add = true} : memref<2x384xf32, #tpu.memory_space<vmem>>[vector<16xi32>, vector<16xi32>], vector<16xf32>,
      %broadcast_in_dim3A_233 = arith.constant 1 : i32
      %broadcast_in_dim3A_234 = vector.broadcast %broadcast_in_dim3A_233 : i32 to vector<16xi32>
      %get3A_235 = arith.constant 256 : index
      %get3A_236 = tpu.vector_load %arg9[%get3A_235] {strides = array<i32>} : memref<512xf32, #tpu.memory_space<vmem>>, vector<16xf32>,
      %add3A_237 = arith.constant 0 : i32
      %add3A_238 = arith.addi %squeeze3A, %add3A_237 : i32
      %add3A_239 = vector.broadcast %add3A_238 : i32 to vector<16xi32>
      %add3A_240 = arith.addi %iota3A, %add3A_239 : vector<16xi32>
      %mul3A_241 = arith.mulf %gather3A, %get3A_236 : vector<16xf32>
      %scatter3A_242 = arith.constant 0 : i32
      %scatter3A_243 = arith.constant 0 : i32
      %scatter3A_244 = tpu.memref_slice %arg10[%scan3A_53, %scatter3A_242, %scatter3A_243] : memref<32x2x384xf32, #tpu.memory_space<vmem>> -> memref<1x2x384xf32, #tpu.memory_space<vmem>>
      %scatter3A_245 = tpu.memref_squeeze %scatter3A_244 : memref<1x2x384xf32, #tpu.memory_space<vmem>> -> memref<2x384xf32, #tpu.memory_space<vmem>>
      tpu.vector_store_idx %scatter3A_245[%broadcast_in_dim3A_234, %add3A_240], %mul3A_241 {add = true} : memref<2x384xf32, #tpu.memory_space<vmem>>[vector<16xi32>, vector<16xi32>], vector<16xf32>,
      %get3A_246 = arith.constant 272 : index
      %get3A_247 = tpu.vector_load %arg9[%get3A_246] {strides = array<i32>} : memref<512xf32, #tpu.memory_space<vmem>>, vector<16xf32>,
      %add3A_248 = arith.constant 16 : i32
      %add3A_249 = arith.addi %squeeze3A, %add3A_248 : i32
      %add3A_250 = vector.broadcast %add3A_249 : i32 to vector<16xi32>
      %add3A_251 = arith.addi %iota3A, %add3A_250 : vector<16xi32>
      %mul3A_252 = arith.mulf %gather3A, %get3A_247 : vector<16xf32>
      %scatter3A_253 = arith.constant 0 : i32
      %scatter3A_254 = arith.constant 0 : i32
      %scatter3A_255 = tpu.memref_slice %arg10[%scan3A_53, %scatter3A_253, %scatter3A_254] : memref<32x2x384xf32, #tpu.memory_space<vmem>> -> memref<1x2x384xf32, #tpu.memory_space<vmem>>
      %scatter3A_256 = tpu.memref_squeeze %scatter3A_255 : memref<1x2x384xf32, #tpu.memory_space<vmem>> -> memref<2x384xf32, #tpu.memory_space<vmem>>
      tpu.vector_store_idx %scatter3A_256[%broadcast_in_dim3A_234, %add3A_251], %mul3A_252 {add = true} : memref<2x384xf32, #tpu.memory_space<vmem>>[vector<16xi32>, vector<16xi32>], vector<16xf32>,
      %get3A_257 = arith.constant 288 : index
      %get3A_258 = tpu.vector_load %arg9[%get3A_257] {strides = array<i32>} : memref<512xf32, #tpu.memory_space<vmem>>, vector<16xf32>,
      %add3A_259 = arith.constant 32 : i32
      %add3A_260 = arith.addi %squeeze3A, %add3A_259 : i32
      %add3A_261 = vector.broadcast %add3A_260 : i32 to vector<16xi32>
      %add3A_262 = arith.addi %iota3A, %add3A_261 : vector<16xi32>
      %mul3A_263 = arith.mulf %gather3A, %get3A_258 : vector<16xf32>
      %scatter3A_264 = arith.constant 0 : i32
      %scatter3A_265 = arith.constant 0 : i32
      %scatter3A_266 = tpu.memref_slice %arg10[%scan3A_53, %scatter3A_264, %scatter3A_265] : memref<32x2x384xf32, #tpu.memory_space<vmem>> -> memref<1x2x384xf32, #tpu.memory_space<vmem>>
      %scatter3A_267 = tpu.memref_squeeze %scatter3A_266 : memref<1x2x384xf32, #tpu.memory_space<vmem>> -> memref<2x384xf32, #tpu.memory_space<vmem>>
      tpu.vector_store_idx %scatter3A_267[%broadcast_in_dim3A_234, %add3A_262], %mul3A_263 {add = true} : memref<2x384xf32, #tpu.memory_space<vmem>>[vector<16xi32>, vector<16xi32>], vector<16xf32>,
      %get3A_268 = arith.constant 304 : index
      %get3A_269 = tpu.vector_load %arg9[%get3A_268] {strides = array<i32>} : memref<512xf32, #tpu.memory_space<vmem>>, vector<16xf32>,
      %add3A_270 = arith.constant 48 : i32
      %add3A_271 = arith.addi %squeeze3A, %add3A_270 : i32
      %add3A_272 = vector.broadcast %add3A_271 : i32 to vector<16xi32>
      %add3A_273 = arith.addi %iota3A, %add3A_272 : vector<16xi32>
      %mul3A_274 = arith.mulf %gather3A, %get3A_269 : vector<16xf32>
      %scatter3A_275 = arith.constant 0 : i32
      %scatter3A_276 = arith.constant 0 : i32
      %scatter3A_277 = tpu.memref_slice %arg10[%scan3A_53, %scatter3A_275, %scatter3A_276] : memref<32x2x384xf32, #tpu.memory_space<vmem>> -> memref<1x2x384xf32, #tpu.memory_space<vmem>>
      %scatter3A_278 = tpu.memref_squeeze %scatter3A_277 : memref<1x2x384xf32, #tpu.memory_space<vmem>> -> memref<2x384xf32, #tpu.memory_space<vmem>>
      tpu.vector_store_idx %scatter3A_278[%broadcast_in_dim3A_234, %add3A_273], %mul3A_274 {add = true} : memref<2x384xf32, #tpu.memory_space<vmem>>[vector<16xi32>, vector<16xi32>], vector<16xf32>,
      %get3A_279 = arith.constant 320 : index
      %get3A_280 = tpu.vector_load %arg9[%get3A_279] {strides = array<i32>} : memref<512xf32, #tpu.memory_space<vmem>>, vector<16xf32>,
      %add3A_281 = arith.constant 64 : i32
      %add3A_282 = arith.addi %squeeze3A, %add3A_281 : i32
      %add3A_283 = vector.broadcast %add3A_282 : i32 to vector<16xi32>
      %add3A_284 = arith.addi %iota3A, %add3A_283 : vector<16xi32>
      %mul3A_285 = arith.mulf %gather3A, %get3A_280 : vector<16xf32>
      %scatter3A_286 = arith.constant 0 : i32
      %scatter3A_287 = arith.constant 0 : i32
      %scatter3A_288 = tpu.memref_slice %arg10[%scan3A_53, %scatter3A_286, %scatter3A_287] : memref<32x2x384xf32, #tpu.memory_space<vmem>> -> memref<1x2x384xf32, #tpu.memory_space<vmem>>
      %scatter3A_289 = tpu.memref_squeeze %scatter3A_288 : memref<1x2x384xf32, #tpu.memory_space<vmem>> -> memref<2x384xf32, #tpu.memory_space<vmem>>
      tpu.vector_store_idx %scatter3A_289[%broadcast_in_dim3A_234, %add3A_284], %mul3A_285 {add = true} : memref<2x384xf32, #tpu.memory_space<vmem>>[vector<16xi32>, vector<16xi32>], vector<16xf32>,
      %get3A_290 = arith.constant 336 : index
      %get3A_291 = tpu.vector_load %arg9[%get3A_290] {strides = array<i32>} : memref<512xf32, #tpu.memory_space<vmem>>, vector<16xf32>,
      %add3A_292 = arith.constant 80 : i32
      %add3A_293 = arith.addi %squeeze3A, %add3A_292 : i32
      %add3A_294 = vector.broadcast %add3A_293 : i32 to vector<16xi32>
      %add3A_295 = arith.addi %iota3A, %add3A_294 : vector<16xi32>
      %mul3A_296 = arith.mulf %gather3A, %get3A_291 : vector<16xf32>
      %scatter3A_297 = arith.constant 0 : i32
      %scatter3A_298 = arith.constant 0 : i32
      %scatter3A_299 = tpu.memref_slice %arg10[%scan3A_53, %scatter3A_297, %scatter3A_298] : memref<32x2x384xf32, #tpu.memory_space<vmem>> -> memref<1x2x384xf32, #tpu.memory_space<vmem>>
      %scatter3A_300 = tpu.memref_squeeze %scatter3A_299 : memref<1x2x384xf32, #tpu.memory_space<vmem>> -> memref<2x384xf32, #tpu.memory_space<vmem>>
      tpu.vector_store_idx %scatter3A_300[%broadcast_in_dim3A_234, %add3A_295], %mul3A_296 {add = true} : memref<2x384xf32, #tpu.memory_space<vmem>>[vector<16xi32>, vector<16xi32>], vector<16xf32>,
      %get3A_301 = arith.constant 352 : index
      %get3A_302 = tpu.vector_load %arg9[%get3A_301] {strides = array<i32>} : memref<512xf32, #tpu.memory_space<vmem>>, vector<16xf32>,
      %add3A_303 = arith.constant 96 : i32
      %add3A_304 = arith.addi %squeeze3A, %add3A_303 : i32
      %add3A_305 = vector.broadcast %add3A_304 : i32 to vector<16xi32>
      %add3A_306 = arith.addi %iota3A, %add3A_305 : vector<16xi32>
      %mul3A_307 = arith.mulf %gather3A, %get3A_302 : vector<16xf32>
      %scatter3A_308 = arith.constant 0 : i32
      %scatter3A_309 = arith.constant 0 : i32
      %scatter3A_310 = tpu.memref_slice %arg10[%scan3A_53, %scatter3A_308, %scatter3A_309] : memref<32x2x384xf32, #tpu.memory_space<vmem>> -> memref<1x2x384xf32, #tpu.memory_space<vmem>>
      %scatter3A_311 = tpu.memref_squeeze %scatter3A_310 : memref<1x2x384xf32, #tpu.memory_space<vmem>> -> memref<2x384xf32, #tpu.memory_space<vmem>>
      tpu.vector_store_idx %scatter3A_311[%broadcast_in_dim3A_234, %add3A_306], %mul3A_307 {add = true} : memref<2x384xf32, #tpu.memory_space<vmem>>[vector<16xi32>, vector<16xi32>], vector<16xf32>,
      %get3A_312 = arith.constant 368 : index
      %get3A_313 = tpu.vector_load %arg9[%get3A_312] {strides = array<i32>} : memref<512xf32, #tpu.memory_space<vmem>>, vector<16xf32>,
      %add3A_314 = arith.constant 112 : i32
      %add3A_315 = arith.addi %squeeze3A, %add3A_314 : i32
      %add3A_316 = vector.broadcast %add3A_315 : i32 to vector<16xi32>
      %add3A_317 = arith.addi %iota3A, %add3A_316 : vector<16xi32>
      %mul3A_318 = arith.mulf %gather3A, %get3A_313 : vector<16xf32>
      %scatter3A_319 = arith.constant 0 : i32
      %scatter3A_320 = arith.constant 0 : i32
      %scatter3A_321 = tpu.memref_slice %arg10[%scan3A_53, %scatter3A_319, %scatter3A_320] : memref<32x2x384xf32, #tpu.memory_space<vmem>> -> memref<1x2x384xf32, #tpu.memory_space<vmem>>
      %scatter3A_322 = tpu.memref_squeeze %scatter3A_321 : memref<1x2x384xf32, #tpu.memory_space<vmem>> -> memref<2x384xf32, #tpu.memory_space<vmem>>
      tpu.vector_store_idx %scatter3A_322[%broadcast_in_dim3A_234, %add3A_317], %mul3A_318 {add = true} : memref<2x384xf32, #tpu.memory_space<vmem>>[vector<16xi32>, vector<16xi32>], vector<16xf32>,
      %get3A_323 = arith.constant 384 : index
      %get3A_324 = tpu.vector_load %arg9[%get3A_323] {strides = array<i32>} : memref<512xf32, #tpu.memory_space<vmem>>, vector<16xf32>,
      %add3A_325 = arith.constant 128 : i32
      %add3A_326 = arith.addi %squeeze3A, %add3A_325 : i32
      %add3A_327 = vector.broadcast %add3A_326 : i32 to vector<16xi32>
      %add3A_328 = arith.addi %iota3A, %add3A_327 : vector<16xi32>
      %mul3A_329 = arith.mulf %gather3A, %get3A_324 : vector<16xf32>
      %scatter3A_330 = arith.constant 0 : i32
      %scatter3A_331 = arith.constant 0 : i32
      %scatter3A_332 = tpu.memref_slice %arg10[%scan3A_53, %scatter3A_330, %scatter3A_331] : memref<32x2x384xf32, #tpu.memory_space<vmem>> -> memref<1x2x384xf32, #tpu.memory_space<vmem>>
      %scatter3A_333 = tpu.memref_squeeze %scatter3A_332 : memref<1x2x384xf32, #tpu.memory_space<vmem>> -> memref<2x384xf32, #tpu.memory_space<vmem>>
      tpu.vector_store_idx %scatter3A_333[%broadcast_in_dim3A_234, %add3A_328], %mul3A_329 {add = true} : memref<2x384xf32, #tpu.memory_space<vmem>>[vector<16xi32>, vector<16xi32>], vector<16xf32>,
      %get3A_334 = arith.constant 400 : index
      %get3A_335 = tpu.vector_load %arg9[%get3A_334] {strides = array<i32>} : memref<512xf32, #tpu.memory_space<vmem>>, vector<16xf32>,
      %add3A_336 = arith.constant 144 : i32
      %add3A_337 = arith.addi %squeeze3A, %add3A_336 : i32
      %add3A_338 = vector.broadcast %add3A_337 : i32 to vector<16xi32>
      %add3A_339 = arith.addi %iota3A, %add3A_338 : vector<16xi32>
      %mul3A_340 = arith.mulf %gather3A, %get3A_335 : vector<16xf32>
      %scatter3A_341 = arith.constant 0 : i32
      %scatter3A_342 = arith.constant 0 : i32
      %scatter3A_343 = tpu.memref_slice %arg10[%scan3A_53, %scatter3A_341, %scatter3A_342] : memref<32x2x384xf32, #tpu.memory_space<vmem>> -> memref<1x2x384xf32, #tpu.memory_space<vmem>>
      %scatter3A_344 = tpu.memref_squeeze %scatter3A_343 : memref<1x2x384xf32, #tpu.memory_space<vmem>> -> memref<2x384xf32, #tpu.memory_space<vmem>>
      tpu.vector_store_idx %scatter3A_344[%broadcast_in_dim3A_234, %add3A_339], %mul3A_340 {add = true} : memref<2x384xf32, #tpu.memory_space<vmem>>[vector<16xi32>, vector<16xi32>], vector<16xf32>,
      %get3A_345 = arith.constant 416 : index
      %get3A_346 = tpu.vector_load %arg9[%get3A_345] {strides = array<i32>} : memref<512xf32, #tpu.memory_space<vmem>>, vector<16xf32>,
      %add3A_347 = arith.constant 160 : i32
      %add3A_348 = arith.addi %squeeze3A, %add3A_347 : i32
      %add3A_349 = vector.broadcast %add3A_348 : i32 to vector<16xi32>
      %add3A_350 = arith.addi %iota3A, %add3A_349 : vector<16xi32>
      %mul3A_351 = arith.mulf %gather3A, %get3A_346 : vector<16xf32>
      %scatter3A_352 = arith.constant 0 : i32
      %scatter3A_353 = arith.constant 0 : i32
      %scatter3A_354 = tpu.memref_slice %arg10[%scan3A_53, %scatter3A_352, %scatter3A_353] : memref<32x2x384xf32, #tpu.memory_space<vmem>> -> memref<1x2x384xf32, #tpu.memory_space<vmem>>
      %scatter3A_355 = tpu.memref_squeeze %scatter3A_354 : memref<1x2x384xf32, #tpu.memory_space<vmem>> -> memref<2x384xf32, #tpu.memory_space<vmem>>
      tpu.vector_store_idx %scatter3A_355[%broadcast_in_dim3A_234, %add3A_350], %mul3A_351 {add = true} : memref<2x384xf32, #tpu.memory_space<vmem>>[vector<16xi32>, vector<16xi32>], vector<16xf32>,
      %get3A_356 = arith.constant 432 : index
      %get3A_357 = tpu.vector_load %arg9[%get3A_356] {strides = array<i32>} : memref<512xf32, #tpu.memory_space<vmem>>, vector<16xf32>,
      %add3A_358 = arith.constant 176 : i32
      %add3A_359 = arith.addi %squeeze3A, %add3A_358 : i32
      %add3A_360 = vector.broadcast %add3A_359 : i32 to vector<16xi32>
      %add3A_361 = arith.addi %iota3A, %add3A_360 : vector<16xi32>
      %mul3A_362 = arith.mulf %gather3A, %get3A_357 : vector<16xf32>
      %scatter3A_363 = arith.constant 0 : i32
      %scatter3A_364 = arith.constant 0 : i32
      %scatter3A_365 = tpu.memref_slice %arg10[%scan3A_53, %scatter3A_363, %scatter3A_364] : memref<32x2x384xf32, #tpu.memory_space<vmem>> -> memref<1x2x384xf32, #tpu.memory_space<vmem>>
      %scatter3A_366 = tpu.memref_squeeze %scatter3A_365 : memref<1x2x384xf32, #tpu.memory_space<vmem>> -> memref<2x384xf32, #tpu.memory_space<vmem>>
      tpu.vector_store_idx %scatter3A_366[%broadcast_in_dim3A_234, %add3A_361], %mul3A_362 {add = true} : memref<2x384xf32, #tpu.memory_space<vmem>>[vector<16xi32>, vector<16xi32>], vector<16xf32>,
      %get3A_367 = arith.constant 448 : index
      %get3A_368 = tpu.vector_load %arg9[%get3A_367] {strides = array<i32>} : memref<512xf32, #tpu.memory_space<vmem>>, vector<16xf32>,
      %add3A_369 = arith.constant 192 : i32
      %add3A_370 = arith.addi %squeeze3A, %add3A_369 : i32
      %add3A_371 = vector.broadcast %add3A_370 : i32 to vector<16xi32>
      %add3A_372 = arith.addi %iota3A, %add3A_371 : vector<16xi32>
      %mul3A_373 = arith.mulf %gather3A, %get3A_368 : vector<16xf32>
      %scatter3A_374 = arith.constant 0 : i32
      %scatter3A_375 = arith.constant 0 : i32
      %scatter3A_376 = tpu.memref_slice %arg10[%scan3A_53, %scatter3A_374, %scatter3A_375] : memref<32x2x384xf32, #tpu.memory_space<vmem>> -> memref<1x2x384xf32, #tpu.memory_space<vmem>>
      %scatter3A_377 = tpu.memref_squeeze %scatter3A_376 : memref<1x2x384xf32, #tpu.memory_space<vmem>> -> memref<2x384xf32, #tpu.memory_space<vmem>>
      tpu.vector_store_idx %scatter3A_377[%broadcast_in_dim3A_234, %add3A_372], %mul3A_373 {add = true} : memref<2x384xf32, #tpu.memory_space<vmem>>[vector<16xi32>, vector<16xi32>], vector<16xf32>,
      %get3A_378 = arith.constant 464 : index
      %get3A_379 = tpu.vector_load %arg9[%get3A_378] {strides = array<i32>} : memref<512xf32, #tpu.memory_space<vmem>>, vector<16xf32>,
      %add3A_380 = arith.constant 208 : i32
      %add3A_381 = arith.addi %squeeze3A, %add3A_380 : i32
      %add3A_382 = vector.broadcast %add3A_381 : i32 to vector<16xi32>
      %add3A_383 = arith.addi %iota3A, %add3A_382 : vector<16xi32>
      %mul3A_384 = arith.mulf %gather3A, %get3A_379 : vector<16xf32>
      %scatter3A_385 = arith.constant 0 : i32
      %scatter3A_386 = arith.constant 0 : i32
      %scatter3A_387 = tpu.memref_slice %arg10[%scan3A_53, %scatter3A_385, %scatter3A_386] : memref<32x2x384xf32, #tpu.memory_space<vmem>> -> memref<1x2x384xf32, #tpu.memory_space<vmem>>
      %scatter3A_388 = tpu.memref_squeeze %scatter3A_387 : memref<1x2x384xf32, #tpu.memory_space<vmem>> -> memref<2x384xf32, #tpu.memory_space<vmem>>
      tpu.vector_store_idx %scatter3A_388[%broadcast_in_dim3A_234, %add3A_383], %mul3A_384 {add = true} : memref<2x384xf32, #tpu.memory_space<vmem>>[vector<16xi32>, vector<16xi32>], vector<16xf32>,
      %get3A_389 = arith.constant 480 : index
      %get3A_390 = tpu.vector_load %arg9[%get3A_389] {strides = array<i32>} : memref<512xf32, #tpu.memory_space<vmem>>, vector<16xf32>,
      %add3A_391 = arith.constant 224 : i32
      %add3A_392 = arith.addi %squeeze3A, %add3A_391 : i32
      %add3A_393 = vector.broadcast %add3A_392 : i32 to vector<16xi32>
      %add3A_394 = arith.addi %iota3A, %add3A_393 : vector<16xi32>
      %mul3A_395 = arith.mulf %gather3A, %get3A_390 : vector<16xf32>
      %scatter3A_396 = arith.constant 0 : i32
      %scatter3A_397 = arith.constant 0 : i32
      %scatter3A_398 = tpu.memref_slice %arg10[%scan3A_53, %scatter3A_396, %scatter3A_397] : memref<32x2x384xf32, #tpu.memory_space<vmem>> -> memref<1x2x384xf32, #tpu.memory_space<vmem>>
      %scatter3A_399 = tpu.memref_squeeze %scatter3A_398 : memref<1x2x384xf32, #tpu.memory_space<vmem>> -> memref<2x384xf32, #tpu.memory_space<vmem>>
      tpu.vector_store_idx %scatter3A_399[%broadcast_in_dim3A_234, %add3A_394], %mul3A_395 {add = true} : memref<2x384xf32, #tpu.memory_space<vmem>>[vector<16xi32>, vector<16xi32>], vector<16xf32>,
      %get3A_400 = arith.constant 496 : index
      %get3A_401 = tpu.vector_load %arg9[%get3A_400] {strides = array<i32>} : memref<512xf32, #tpu.memory_space<vmem>>, vector<16xf32>,
      %add3A_402 = arith.constant 240 : i32
      %add3A_403 = arith.addi %squeeze3A, %add3A_402 : i32
      %add3A_404 = vector.broadcast %add3A_403 : i32 to vector<16xi32>
      %add3A_405 = arith.addi %iota3A, %add3A_404 : vector<16xi32>
      %mul3A_406 = arith.mulf %gather3A, %get3A_401 : vector<16xf32>
      %scatter3A_407 = arith.constant 0 : i32
      %scatter3A_408 = arith.constant 0 : i32
      %scatter3A_409 = tpu.memref_slice %arg10[%scan3A_53, %scatter3A_407, %scatter3A_408] : memref<32x2x384xf32, #tpu.memory_space<vmem>> -> memref<1x2x384xf32, #tpu.memory_space<vmem>>
      %scatter3A_410 = tpu.memref_squeeze %scatter3A_409 : memref<1x2x384xf32, #tpu.memory_space<vmem>> -> memref<2x384xf32, #tpu.memory_space<vmem>>
      tpu.vector_store_idx %scatter3A_410[%broadcast_in_dim3A_234, %add3A_405], %mul3A_406 {add = true} : memref<2x384xf32, #tpu.memory_space<vmem>>[vector<16xi32>, vector<16xi32>], vector<16xf32>,
    }
    %scan3A_40 = arith.constant 32 : i32
    %scan3A_41 = arith.constant 0 : i32
    %scan3A_42 = arith.constant 0 : i32
    %scan3A_43 = arith.constant 32 : i32
    %scan3A_44 = arith.addi %scan3A_42, %scan3A_43 : i32
    %scan3A_45 = arith.constant 1 : i32
    scf.for %scan3A_53 = %scan3A_42 to %scan3A_44 step %scan3A_45  : i32 {
      %get3A_54 = arith.index_cast %scan3A_53 : i32 to index
      %get3A_55 = tpu.vector_load %arg11[%get3A_54] {strides = array<i32>} : memref<48xi32, #tpu.memory_space<vmem>>, vector<16xi32>,
      %slice3A = vector.extract_strided_slice %get3A_55 {offsets = [0], sizes = [1], strides = [1]} : vector<16xi32> to vector<1xi32>
      %squeeze3A = vector.extract %slice3A[0] : i32 from vector<1xi32>
      %multiple_of3A = tpu.assume_multiple %squeeze3A, 128 : i32
      %add3A_56 = arith.addi %mul3A_2, %scan3A_53 : i32
      %dma_start3A = arith.constant 0 : i32
      %dma_start3A_57 = arith.constant 0 : i32
      %dma_start3A_58 = tpu.memref_slice %arg10[%scan3A_53, %dma_start3A, %dma_start3A_57] : memref<32x2x384xf32, #tpu.memory_space<vmem>> -> memref<1x2x384xf32, #tpu.memory_space<vmem>>
      %dma_start3A_59 = tpu.memref_squeeze %dma_start3A_58 : memref<1x2x384xf32, #tpu.memory_space<vmem>> -> memref<2x384xf32, #tpu.memory_space<vmem>>
      %dma_start3A_60 = arith.constant 0 : i32
      %dma_start3A_61 = tpu.memref_slice %arg6[%add3A_56, %dma_start3A_60, %multiple_of3A] : memref<1024x2x16384xf32, #tpu.memory_space<hbm>> -> memref<1x2x384xf32, #tpu.memory_space<hbm>>
      %dma_start3A_62 = tpu.memref_squeeze %dma_start3A_61 : memref<1x2x384xf32, #tpu.memory_space<hbm>> -> memref<2x384xf32, #tpu.memory_space<hbm>>
      %dma_start3A_63 = arith.constant 0 : i32
      %dma_start3A_64 = tpu.memref_slice %arg6[%add3A_56, %dma_start3A_63, %multiple_of3A] : memref<1024x2x16384xf32, #tpu.memory_space<hbm>> -> memref<1x2x384xf32, #tpu.memory_space<hbm>>
      %dma_start3A_65 = tpu.memref_squeeze %dma_start3A_64 : memref<1x2x384xf32, #tpu.memory_space<hbm>> -> memref<2x384xf32, #tpu.memory_space<hbm>>
      %dma_start3A_66 = arith.constant 0 : i32
      %dma_start3A_67 = arith.constant 0 : i32
      %dma_start3A_68 = tpu.memref_slice %arg10[%scan3A_53, %dma_start3A_66, %dma_start3A_67] : memref<32x2x384xf32, #tpu.memory_space<vmem>> -> memref<1x2x384xf32, #tpu.memory_space<vmem>>
      %dma_start3A_69 = tpu.memref_squeeze %dma_start3A_68 : memref<1x2x384xf32, #tpu.memory_space<vmem>> -> memref<2x384xf32, #tpu.memory_space<vmem>>
      tpu.enqueue_dma source(%dma_start3A_69 : memref<2x384xf32, #tpu.memory_space<vmem>>) target(%dma_start3A_65 : memref<2x384xf32, #tpu.memory_space<hbm>>) target_semaphore(%arg13 : memref<!tpu.dma_semaphore, #tpu.memory_space<semaphore_mem>>)
    }
    %scan3A_46 = arith.constant 32 : i32
    %scan3A_47 = arith.constant 0 : i32
    %scan3A_48 = arith.constant 0 : i32
    %scan3A_49 = arith.constant 32 : i32
    %scan3A_50 = arith.addi %scan3A_48, %scan3A_49 : i32
    %scan3A_51 = arith.constant 1 : i32
    scf.for %scan3A_53 = %scan3A_48 to %scan3A_50 step %scan3A_51  : i32 {
      %dma_wait3A = arith.constant 0 : i32
      %dma_wait3A_54 = arith.constant 0 : i32
      %dma_wait3A_55 = arith.constant 0 : i32
      %dma_wait3A_56 = tpu.memref_slice %arg10[%dma_wait3A, %dma_wait3A_54, %dma_wait3A_55] : memref<32x2x384xf32, #tpu.memory_space<vmem>> -> memref<1x2x384xf32, #tpu.memory_space<vmem>>
      %dma_wait3A_57 = tpu.memref_squeeze %dma_wait3A_56 : memref<1x2x384xf32, #tpu.memory_space<vmem>> -> memref<2x384xf32, #tpu.memory_space<vmem>>
      %dma_wait3A_58 = arith.constant 0 : i32
      %dma_wait3A_59 = arith.constant 0 : i32
      %dma_wait3A_60 = tpu.memref_slice %arg6[%mul3A_2, %dma_wait3A_58, %dma_wait3A_59] : memref<1024x2x16384xf32, #tpu.memory_space<hbm>> -> memref<1x2x384xf32, #tpu.memory_space<hbm>>
      %dma_wait3A_61 = tpu.memref_squeeze %dma_wait3A_60 : memref<1x2x384xf32, #tpu.memory_space<hbm>> -> memref<2x384xf32, #tpu.memory_space<hbm>>
      %dma_wait3A_62 = arith.constant 0 : i32
      %dma_wait3A_63 = arith.constant 0 : i32
      %dma_wait3A_64 = tpu.memref_slice %arg10[%dma_wait3A, %dma_wait3A_62, %dma_wait3A_63] : memref<32x2x384xf32, #tpu.memory_space<vmem>> -> memref<1x2x384xf32, #tpu.memory_space<vmem>>
      %dma_wait3A_65 = tpu.memref_squeeze %dma_wait3A_64 : memref<1x2x384xf32, #tpu.memory_space<vmem>> -> memref<2x384xf32, #tpu.memory_space<vmem>>
      %dma_wait3A_66 = arith.constant 0 : i32
      %dma_wait3A_67 = arith.constant 0 : i32
      %dma_wait3A_68 = tpu.memref_slice %arg6[%mul3A_2, %dma_wait3A_66, %dma_wait3A_67] : memref<1024x2x16384xf32, #tpu.memory_space<hbm>> -> memref<1x2x384xf32, #tpu.memory_space<hbm>>
      %dma_wait3A_69 = tpu.memref_squeeze %dma_wait3A_68 : memref<1x2x384xf32, #tpu.memory_space<hbm>> -> memref<2x384xf32, #tpu.memory_space<hbm>>
      tpu.wait_dma2 semaphore(%arg13 : memref<!tpu.dma_semaphore, #tpu.memory_space<semaphore_mem>>) src(%dma_wait3A_69 : memref<2x384xf32, #tpu.memory_space<hbm>>) dst(%dma_wait3A_65 : memref<2x384xf32, #tpu.memory_space<vmem>>)
    }
    %scan3A_52 = arith.constant 32 : i32
    return
  }
}

module attributes {stable_mosaic.version = 14 : i64} {
  func.func @_tc_body(%arg0: i32, %arg1: memref<64x2x16384xf32, #tpu.memory_space<vmem>>, %arg2: memref<1x256xf32, #tpu.memory_space<vmem>>, %arg3: memref<1x256xf32, #tpu.memory_space<vmem>>, %arg4: memref<64x2x16384xf32, #tpu.memory_space<vmem>>, %arg5: memref<1x1x64xf32, #tpu.memory_space<vmem>>, %arg6: memref<2x256xf32, #tpu.memory_space<vmem>>) attributes {dimension_semantics = [#tpu.dimension_semantics<arbitrary>], iteration_bounds = array<i64: 16>, scalar_prefetch = 0 : i64, scratch_operands = 0 : i64, tpu.core_type = #tpu.core_type<tc>, window_params = [{transform_indices = @transform_0, window_bounds = array<i64: 64, 2, 16384>}, {pipeline_mode = #tpu.pipeline_mode<synchronous>, transform_indices = @transform_1, window_bounds = array<i64: 1, 256>}, {pipeline_mode = #tpu.pipeline_mode<synchronous>, transform_indices = @transform_2, window_bounds = array<i64: 1, 256>}, {transform_indices = @transform_3, window_bounds = array<i64: 64, 2, 16384>}, {transform_indices = @transform_4, window_bounds = array<i64: 1, 1, 64>}, {pipeline_mode = #tpu.pipeline_mode<synchronous>, transform_indices = @transform_5, window_bounds = array<i64: 2, 256>}]} {
    %get3A = arith.constant 0 : index
    %get3A_0 = arith.constant 0 : index
    %get3A_1 = arith.constant 0 : index
    %get3A_2 = vector.load %arg1[%get3A, %get3A_0, %get3A_1] : memref<64x2x16384xf32, #tpu.memory_space<vmem>>, vector<64x2x16384xf32>
    %swap3A = arith.constant 0 : index
    %swap3A_3 = arith.constant 0 : index
    %swap3A_4 = arith.constant 0 : index
    %swap3A_5 = vector.load %arg4[%swap3A, %swap3A_3, %swap3A_4] : memref<64x2x16384xf32, #tpu.memory_space<vmem>>, vector<64x2x16384xf32>
    tpu.vector_store %arg4[%swap3A, %swap3A_3, %swap3A_4], %get3A_2 {strides = array<i32>} : memref<64x2x16384xf32, #tpu.memory_space<vmem>>, vector<64x2x16384xf32>,
    %mul3A = arith.mulf %get3A_2, %get3A_2 : vector<64x2x16384xf32>
    %slice3A = vector.extract_strided_slice %mul3A {offsets = [0, 0, 0], sizes = [64, 2, 8192], strides = [1, 1, 1]} : vector<64x2x16384xf32> to vector<64x2x8192xf32>
    %slice3A_6 = vector.extract_strided_slice %mul3A {offsets = [0, 0, 8192], sizes = [64, 2, 8192], strides = [1, 1, 1]} : vector<64x2x16384xf32> to vector<64x2x8192xf32>
    %add3A = arith.addf %slice3A, %slice3A_6 : vector<64x2x8192xf32>
    %slice3A_7 = vector.extract_strided_slice %add3A {offsets = [0, 0, 0], sizes = [64, 2, 4096], strides = [1, 1, 1]} : vector<64x2x8192xf32> to vector<64x2x4096xf32>
    %slice3A_8 = vector.extract_strided_slice %add3A {offsets = [0, 0, 4096], sizes = [64, 2, 4096], strides = [1, 1, 1]} : vector<64x2x8192xf32> to vector<64x2x4096xf32>
    %add3A_9 = arith.addf %slice3A_7, %slice3A_8 : vector<64x2x4096xf32>
    %slice3A_10 = vector.extract_strided_slice %add3A_9 {offsets = [0, 0, 0], sizes = [64, 2, 2048], strides = [1, 1, 1]} : vector<64x2x4096xf32> to vector<64x2x2048xf32>
    %slice3A_11 = vector.extract_strided_slice %add3A_9 {offsets = [0, 0, 2048], sizes = [64, 2, 2048], strides = [1, 1, 1]} : vector<64x2x4096xf32> to vector<64x2x2048xf32>
    %add3A_12 = arith.addf %slice3A_10, %slice3A_11 : vector<64x2x2048xf32>
    %slice3A_13 = vector.extract_strided_slice %add3A_12 {offsets = [0, 0, 0], sizes = [64, 2, 1024], strides = [1, 1, 1]} : vector<64x2x2048xf32> to vector<64x2x1024xf32>
    %slice3A_14 = vector.extract_strided_slice %add3A_12 {offsets = [0, 0, 1024], sizes = [64, 2, 1024], strides = [1, 1, 1]} : vector<64x2x2048xf32> to vector<64x2x1024xf32>
    %add3A_15 = arith.addf %slice3A_13, %slice3A_14 : vector<64x2x1024xf32>
    %slice3A_16 = vector.extract_strided_slice %add3A_15 {offsets = [0, 0, 0], sizes = [64, 2, 512], strides = [1, 1, 1]} : vector<64x2x1024xf32> to vector<64x2x512xf32>
    %slice3A_17 = vector.extract_strided_slice %add3A_15 {offsets = [0, 0, 512], sizes = [64, 2, 512], strides = [1, 1, 1]} : vector<64x2x1024xf32> to vector<64x2x512xf32>
    %add3A_18 = arith.addf %slice3A_16, %slice3A_17 : vector<64x2x512xf32>
    %slice3A_19 = vector.extract_strided_slice %add3A_18 {offsets = [0, 0, 0], sizes = [64, 2, 256], strides = [1, 1, 1]} : vector<64x2x512xf32> to vector<64x2x256xf32>
    %slice3A_20 = vector.extract_strided_slice %add3A_18 {offsets = [0, 0, 256], sizes = [64, 2, 256], strides = [1, 1, 1]} : vector<64x2x512xf32> to vector<64x2x256xf32>
    %add3A_21 = arith.addf %slice3A_19, %slice3A_20 : vector<64x2x256xf32>
    %slice3A_22 = vector.extract_strided_slice %add3A_21 {offsets = [0, 0, 0], sizes = [64, 2, 128], strides = [1, 1, 1]} : vector<64x2x256xf32> to vector<64x2x128xf32>
    %slice3A_23 = vector.extract_strided_slice %add3A_21 {offsets = [0, 0, 128], sizes = [64, 2, 128], strides = [1, 1, 1]} : vector<64x2x256xf32> to vector<64x2x128xf32>
    %add3A_24 = arith.addf %slice3A_22, %slice3A_23 : vector<64x2x128xf32>
    %reduce_sum3A = arith.constant dense<0.000000e+00> : vector<64xf32>
    %reduce_sum3A_25 = vector.multi_reduction <add>, %add3A_24, %reduce_sum3A [1, 2] : vector<64x2x128xf32> to vector<64xf32>
    %div3A = arith.constant 3.276800e+04 : f32
    %div3A_26 = vector.broadcast %div3A : f32 to vector<64xf32>
    %div3A_27 = arith.divf %reduce_sum3A_25, %div3A_26 : vector<64xf32>
    %add3A_28 = arith.constant 9.99999996E-13 : f32
    %add3A_29 = vector.broadcast %add3A_28 : f32 to vector<64xf32>
    %add3A_30 = arith.addf %div3A_27, %add3A_29 : vector<64xf32>
    %sqrt3A = math.sqrt %add3A_30 : vector<64xf32>
    %swap3A_31 = arith.constant 0 : index
    %swap3A_32 = arith.constant 0 : index
    %swap3A_33 = arith.constant 0 : index
    %swap3A_34 = vector.load %arg5[%swap3A_31, %swap3A_32, %swap3A_33] : memref<1x1x64xf32, #tpu.memory_space<vmem>>, vector<1x1x64xf32>
    %swap3A_35 = vector.shape_cast %swap3A_34 : vector<1x1x64xf32> to vector<64xf32>
    %swap3A_36 = vector.shape_cast %sqrt3A : vector<64xf32> to vector<1x1x64xf32>
    tpu.vector_store %arg5[%swap3A_31, %swap3A_32, %swap3A_33], %swap3A_36 {strides = array<i32>} : memref<1x1x64xf32, #tpu.memory_space<vmem>>, vector<1x1x64xf32>,
    %eq3A = arith.constant 0 : i32
    %eq3A_37 = arith.cmpi eq, %arg0, %eq3A : i32
    %convert_element_type3A = arith.extui %eq3A_37 : i1 to i32
    %cond3A = arith.constant 0 : i32
    %cond3A_38 = arith.cmpi ne, %convert_element_type3A, %cond3A : i32
    scf.if %cond3A_38 {
      %get3A_39 = arith.constant 0 : index
      %get3A_40 = arith.constant 0 : index
      %get3A_41 = vector.load %arg2[%get3A_39, %get3A_40] : memref<1x256xf32, #tpu.memory_space<vmem>>, vector<1x256xf32>
      %get3A_42 = arith.constant 0 : index
      %get3A_43 = arith.constant 0 : index
      %get3A_44 = vector.load %arg3[%get3A_42, %get3A_43] : memref<1x256xf32, #tpu.memory_space<vmem>>, vector<1x256xf32>
      %concatenate3A = tpu.concatenate %get3A_41, %get3A_44 in 0 : vector<1x256xf32>, vector<1x256xf32> -> vector<2x256xf32>
      %broadcast_in_dim3A = arith.constant 0.000000e+00 : f32
      %broadcast_in_dim3A_45 = vector.broadcast %broadcast_in_dim3A : f32 to vector<2x4xf32>
      %concatenate3A_46 = tpu.concatenate %broadcast_in_dim3A_45, %concatenate3A, %broadcast_in_dim3A_45 in 1 : vector<2x4xf32>, vector<2x256xf32>, vector<2x4xf32> -> vector<2x264xf32>
      %slice3A_47 = vector.extract_strided_slice %concatenate3A_46 {offsets = [0, 0], sizes = [2, 256], strides = [1, 1]} : vector<2x264xf32> to vector<2x256xf32>
      %slice3A_48 = vector.extract_strided_slice %concatenate3A_46 {offsets = [0, 1], sizes = [2, 256], strides = [1, 1]} : vector<2x264xf32> to vector<2x256xf32>
      %add3A_49 = arith.addf %slice3A_47, %slice3A_48 : vector<2x256xf32>
      %slice3A_50 = vector.extract_strided_slice %concatenate3A_46 {offsets = [0, 2], sizes = [2, 256], strides = [1, 1]} : vector<2x264xf32> to vector<2x256xf32>
      %add3A_51 = arith.addf %add3A_49, %slice3A_50 : vector<2x256xf32>
      %slice3A_52 = vector.extract_strided_slice %concatenate3A_46 {offsets = [0, 3], sizes = [2, 256], strides = [1, 1]} : vector<2x264xf32> to vector<2x256xf32>
      %add3A_53 = arith.addf %add3A_51, %slice3A_52 : vector<2x256xf32>
      %slice3A_54 = vector.extract_strided_slice %concatenate3A_46 {offsets = [0, 4], sizes = [2, 256], strides = [1, 1]} : vector<2x264xf32> to vector<2x256xf32>
      %add3A_55 = arith.addf %add3A_53, %slice3A_54 : vector<2x256xf32>
      %slice3A_56 = vector.extract_strided_slice %concatenate3A_46 {offsets = [0, 5], sizes = [2, 256], strides = [1, 1]} : vector<2x264xf32> to vector<2x256xf32>
      %add3A_57 = arith.addf %add3A_55, %slice3A_56 : vector<2x256xf32>
      %slice3A_58 = vector.extract_strided_slice %concatenate3A_46 {offsets = [0, 6], sizes = [2, 256], strides = [1, 1]} : vector<2x264xf32> to vector<2x256xf32>
      %add3A_59 = arith.addf %add3A_57, %slice3A_58 : vector<2x256xf32>
      %slice3A_60 = vector.extract_strided_slice %concatenate3A_46 {offsets = [0, 7], sizes = [2, 256], strides = [1, 1]} : vector<2x264xf32> to vector<2x256xf32>
      %add3A_61 = arith.addf %add3A_59, %slice3A_60 : vector<2x256xf32>
      %slice3A_62 = vector.extract_strided_slice %concatenate3A_46 {offsets = [0, 8], sizes = [2, 256], strides = [1, 1]} : vector<2x264xf32> to vector<2x256xf32>
      %add3A_63 = arith.addf %add3A_61, %slice3A_62 : vector<2x256xf32>
      %mul3A_64 = arith.constant 0.111111112 : f32
      %mul3A_65 = vector.broadcast %mul3A_64 : f32 to vector<2x256xf32>
      %mul3A_66 = arith.mulf %add3A_63, %mul3A_65 : vector<2x256xf32>
      %reduce_sum3A_67 = arith.constant dense<0.000000e+00> : vector<2xf32>
      %reduce_sum3A_68 = vector.multi_reduction <add>, %mul3A_66, %reduce_sum3A_67 [1] : vector<2x256xf32> to vector<2xf32>
      %broadcast_in_dim3A_69 = vector.shape_cast %reduce_sum3A_68 : vector<2xf32> to vector<2x1xf32>
      %div3A_70 = arith.constant 2.560000e+02 : f32
      %div3A_71 = vector.broadcast %div3A_70 : f32 to vector<2x1xf32>
      %div3A_72 = arith.divf %broadcast_in_dim3A_69, %div3A_71 : vector<2x1xf32>
      %sub3A = vector.broadcast %div3A_72 : vector<2x1xf32> to vector<2x256xf32>
      %sub3A_73 = arith.subf %mul3A_66, %sub3A : vector<2x256xf32>
      %mul3A_74 = arith.mulf %sub3A_73, %sub3A_73 : vector<2x256xf32>
      %reduce_sum3A_75 = vector.shape_cast %mul3A_74 : vector<2x256xf32> to vector<1x2x256xf32>
      %reduce_sum3A_76 = arith.constant dense<0.000000e+00> : vector<1xf32>
      %reduce_sum3A_77 = vector.multi_reduction <add>, %reduce_sum3A_75, %reduce_sum3A_76 [1, 2] : vector<1x2x256xf32> to vector<1xf32>
      %reduce_sum3A_78 = vector.shape_cast %reduce_sum3A_77 : vector<1xf32> to vector<1x1x1xf32>
      %reduce_sum3A_79 = vector.extract %reduce_sum3A_78[0, 0, 0] : f32 from vector<1x1x1xf32>
      %div3A_80 = arith.constant 5.120000e+02 : f32
      %div3A_81 = arith.divf %reduce_sum3A_79, %div3A_80 : f32
      %add3A_82 = arith.constant 9.99999993E-9 : f32
      %add3A_83 = arith.addf %div3A_81, %add3A_82 : f32
      %sqrt3A_84 = math.sqrt %add3A_83 : f32
      %div3A_85 = arith.constant 8.000000e-02 : f32
      %div3A_86 = arith.divf %div3A_85, %sqrt3A_84 : f32
      %mul3A_87 = vector.broadcast %div3A_86 : f32 to vector<2x256xf32>
      %mul3A_88 = arith.mulf %sub3A_73, %mul3A_87 : vector<2x256xf32>
      %swap3A_89 = arith.constant 0 : index
      %swap3A_90 = arith.constant 0 : index
      %swap3A_91 = vector.load %arg6[%swap3A_89, %swap3A_90] : memref<2x256xf32, #tpu.memory_space<vmem>>, vector<2x256xf32>
      tpu.vector_store %arg6[%swap3A_89, %swap3A_90], %mul3A_88 {strides = array<i32>} : memref<2x256xf32, #tpu.memory_space<vmem>>, vector<2x256xf32>,
    } else {
    }
    return
  }
  func.func @transform_0(%arg0: i32) -> (i32, i32, i32) {
    %c0_i32 = arith.constant 0 : i32
    %c0_i32_0 = arith.constant 0 : i32
    %c0_i32_1 = arith.constant 0 : i32
    return %arg0, %c0_i32, %c0_i32_0 : i32, i32, i32
  }
  func.func @transform_1(%arg0: i32) -> (i32, i32) {
    %c0_i32 = arith.constant 0 : i32
    %c0_i32_0 = arith.constant 0 : i32
    %c0_i32_1 = arith.constant 0 : i32
    return %c0_i32, %c0_i32_0 : i32, i32
  }
  func.func @transform_2(%arg0: i32) -> (i32, i32) {
    %c0_i32 = arith.constant 0 : i32
    %c0_i32_0 = arith.constant 0 : i32
    %c0_i32_1 = arith.constant 0 : i32
    return %c0_i32, %c0_i32_0 : i32, i32
  }
  func.func @transform_3(%arg0: i32) -> (i32, i32, i32) {
    %c0_i32 = arith.constant 0 : i32
    %c0_i32_0 = arith.constant 0 : i32
    %c0_i32_1 = arith.constant 0 : i32
    return %arg0, %c0_i32, %c0_i32_0 : i32, i32, i32
  }
  func.func @transform_4(%arg0: i32) -> (i32, i32, i32) {
    %c0_i32 = arith.constant 0 : i32
    %c0_i32_0 = arith.constant 0 : i32
    %c0_i32_1 = arith.constant 0 : i32
    return %arg0, %c0_i32, %c0_i32_0 : i32, i32, i32
  }
  func.func @transform_5(%arg0: i32) -> (i32, i32) {
    %c0_i32 = arith.constant 0 : i32
    %c0_i32_0 = arith.constant 0 : i32
    %c0_i32_1 = arith.constant 0 : i32
    return %c0_i32, %c0_i32_0 : i32, i32
  }
}

</mosaic_0001>

<sc_bundles>
// kernel: kernel.4.cloned.1.call-start
scs
__scs_entry_jumppad:
0x0: {  	(pc) =	sbr.rel $0x88, $3  }
0x1: {  	(tag) =	ssettag $0x0;
	lr =	simm.s32 $0x1  }
0x2: {  	[smem:$0x3F9D] =	sst lr;
	_ =	strace $0xD0000000  }
0x3: {  	_ = 	snop  }
0x4: {  	_ = 	snop  }
0x5: {  	_ = 	snop  }
0x6: {  	_ = 	snop  }
0x7: {  	_ = 	snop  }
__scs_overlays_trampoline_lowered:
0x8: {  	[smem:$0x3FAC] =	sst s0  }
0x9: {  	[smem:$0x3FAD] =	sst s1  }
0xa: {  	[smem:$0x3FAE] =	sst s2  }
0xb: {  	[smem:$0x3FAF] =	sst s3  }
0xc: {  	[smem:$0x3FB0] =	sst s4  }
0xd: {  	[smem:$0x3FB1] =	sst s5  }
0xe: {  	[smem:$0x3FB2] =	sst s6  }
0xf: {  	[smem:$0x3FB3] =	sst s7  }
0x10: {  	[smem:$0x3FB4] =	sst s8  }
0x11: {  	[smem:$0x3FB5] =	sst s9;
	s0 =	simm.s32 @!p0 $0x0  }
0x12: {  	s1 =	sld [smem:$0x3F9B];
	s0 =	simm.s32 @p0 $0x1  }
0x13: {  	[smem:$0x3FB6] =	sst s0;
	s0 =	simm.s32 @!p1 $0x0  }
0x14: {  	s2 =	sld [smem:$0x3F9A];
	s0 =	simm.s32 @p1 $0x1  }
0x15: {  	[smem:$0x3FB7] =	sst s0;
	s0 =	simm.s32 @!p2 $0x0  }
0x16: {  	s3 =	sld [smem:$0x3FDB];
	s0 =	simm.s32 @p2 $0x1  }
0x17: {  	s4 =	simm.s32 $0x1BF5;
	[smem:$0x3FB9] =	sst s0  }
0x18: {  	s0 =	sld [smem:$0x3F9C];
	_ =	swait.ge [sflag:s4], $0x0  }
0x19: {  	s7 =	sld [smem:$0x3F9D]  }
0x1a: {  	s8 =	sadd.s32 $0xFFFFE003, lr  }
0x1b: {  	s9 =	sadd.s32 $0xFFFFFEF7, lr;
	s5 =	simm.s32 $0xFFFFFFFF;
	p2 =	slt.u32 s8, $0xFFFFF086  }
0x1c: {  	p1 =	slt.u32 s9, $0xF7A;
	s5 =	simm.s32 @!p2 $0x0  }
0x1d: {  	s5 =	simm.s32 @p1 $0x1;
	p0 =	seq.s32 s7, s2  }
0x1e: {  	s7 =	smul.u32 @!p0 $0xF7A, s2;
	p2 =	seq.s32 @!p0 s5, $0x0  }
0x1f: {  	s9 =	smul.u32 $0xF7A, s1;
	s8 =	simm.s32 @!p0 $0x1BF5;
	p2 =	por !p2, p0  }
0x20: {  	[sflag:s8] =	ssyncset.s32 @!p0 $0xFFFFF086;
	s6 =	sadd.s32 @!p0 s3, s7;
	s7 =	simm.s32 @!p0 $0x108  }
0x21: {  	s3 =	sadd.s32 s3, s9;
	s6 =	sadd.s32 @!p0 $0x88, s6;
	s7 =	simm.s32 @p2 $0x1082  }
0x22: {  	[simem:s7], [sflag:s8] =	dma.local @!p0 [hbm:s6], $0xF7A  }
0x23: {  	s9 =	sor.u32 $0xD0000000, s2;
	s6 =	simm.s32 $0x108;
	_ =	swait.ge @!p0 [sflag:s8], $0x0  }
0x24: {  	s3 =	sadd.s32 $0x88, s3;
	s6 =	simm.s32 @!p1 $0x1082;
	[sflag:s4] =	ssyncset.s32 $0xFFFFF086  }
0x25: {  	[simem:s6], [sflag:s4] =	dma.local [hbm:s3], $0xF7A  }
0x26: {  	[smem:$0x3F9D] =	sst s1;
	(tag) =	ssettag s2;
	_ =	strace s9  }
0x27: {  	s1 =	sld [smem:$0x3FAD]  }
0x28: {  	s2 =	sld [smem:$0x3FAE]  }
0x29: {  	s4 =	sld [smem:$0x3FB0]  }
0x2a: {  	p0 =	seq.s32 s5, $0x0;
	s5 =	sld [smem:$0x3FB1]  }
0x2b: {  	s6 =	sld [smem:$0x3FB2]  }
0x2c: {  	s7 =	sld [smem:$0x3FB3]  }
0x2d: {  	s3 =	simm.s32 $0x108;
	s8 =	sld [smem:$0x3FB4]  }
0x2e: {  	s3 =	simm.s32 @!p0 $0x1082;
	s9 =	sld [smem:$0x3FB5]  }
0x2f: {  	lr =	sadd.s32 s0, s3;
	s0 =	sld [smem:$0x3FAC]  }
0x30: {  	s3 =	sld [smem:$0x3FAF]  }
0x31: {  	[smem:$0x3FB8] =	sst s10  }
0x32: {  	s10 =	sld [smem:$0x3FB6];
	_ =	sdelay $0x3  }
0x33: {  	p0 =	seq.s32 s10, $0x1;
	s10 =	sld [smem:$0x3FB8];
	_ =	sdelay $0x3  }
0x34: {  	[smem:$0x3FB8] =	sst s10  }
0x35: {  	s10 =	sld [smem:$0x3FB7];
	_ =	sdelay $0x3  }
0x36: {  	p1 =	seq.s32 s10, $0x1;
	s10 =	sld [smem:$0x3FB8];
	_ =	sdelay $0x3  }
0x37: {  	[smem:$0x3FB8] =	sst s10  }
0x38: {  	s10 =	sld [smem:$0x3FB9]  }
0x39: {  	_ = 	snop;
	(pc) =	sbr.ind lr, $3  }
0x3a: {  	_ = 	snop  }
0x3b: {  	_ = 	snop  }
0x3c: {  	p2 =	seq.s32 s10, $0x1;
	s10 =	sld [smem:$0x3FB8]  }
0x3d: {  	_ =	shalt  }
0x3e: {  	_ =	shalt  }
0x3f: {  	_ =	shalt  }
0x40: {  	_ =	shalt  }
0x41: {  	_ =	shalt  }
0x42: {  	_ =	shalt  }
0x43: {  	_ =	shalt  }
0x44: {  	_ =	shalt  }
0x45: {  	_ =	shalt  }
0x46: {  	_ =	shalt  }
0x47: {  	_ =	shalt  }
0x48: {  	_ =	shalt  }
0x49: {  	_ =	shalt  }
0x4a: {  	_ =	shalt  }
0x4b: {  	_ =	shalt  }
0x4c: {  	_ =	shalt  }
0x4d: {  	_ =	shalt  }
0x4e: {  	_ =	shalt  }
0x4f: {  	_ =	shalt  }
0x50: {  	_ =	shalt  }
0x51: {  	_ =	shalt  }
0x52: {  	_ =	shalt  }
0x53: {  	_ =	shalt  }
0x54: {  	_ =	shalt  }
0x55: {  	_ =	shalt  }
0x56: {  	_ =	shalt  }
0x57: {  	_ =	shalt  }
0x58: {  	_ =	shalt  }
0x59: {  	_ =	shalt  }
0x5a: {  	_ =	shalt  }
0x5b: {  	_ =	shalt  }
0x5c: {  	_ =	shalt  }
0x5d: {  	_ =	shalt  }
0x5e: {  	_ =	shalt  }
0x5f: {  	_ =	shalt  }
0x60: {  	_ =	shalt  }
0x61: {  	_ =	shalt  }
0x62: {  	_ =	shalt  }
0x63: {  	_ =	shalt  }
0x64: {  	_ =	shalt  }
0x65: {  	_ =	shalt  }
0x66: {  	_ =	shalt  }
0x67: {  	_ =	shalt  }
0x68: {  	_ =	shalt  }
0x69: {  	_ =	shalt  }
0x6a: {  	_ =	shalt  }
0x6b: {  	_ =	shalt  }
0x6c: {  	_ =	shalt  }
0x6d: {  	_ =	shalt  }
0x6e: {  	_ =	shalt  }
0x6f: {  	_ =	shalt  }
0x70: {  	_ =	shalt  }
0x71: {  	_ =	shalt  }
0x72: {  	_ =	shalt  }
0x73: {  	_ =	shalt  }
0x74: {  	_ =	shalt  }
0x75: {  	_ =	shalt  }
0x76: {  	_ =	shalt  }
0x77: {  	_ =	shalt  }
0x78: {  	_ =	shalt  }
0x79: {  	_ =	shalt  }
0x7a: {  	_ =	shalt  }
0x7b: {  	_ =	shalt  }
0x7c: {  	_ =	shalt  }
0x7d: {  	_ =	shalt  }
0x7e: {  	_ =	shalt  }
0x7f: {  	_ =	shalt  }
0x80: {  	_ =	shalt  }
0x81: {  	_ =	shalt  }
0x82: {  	_ =	shalt  }
0x83: {  	_ =	shalt  }
0x84: {  	_ =	shalt  }
0x85: {  	_ =	shalt  }
0x86: {  	_ =	shalt  }
0x87: {  	_ =	shalt  }
.Lfunc_end0:
.L_simem_size_0:
called_computation_lowered:
.L_overlay_start_0:
0x88: {  	s2 =	sld [smem:$0x3FD9]  }
0x89: {  	s3 =	sld [smem:$0x3FFE];
	_ =	sdelay $0x1  }
0x8a: {  	s1 =	srdreg.scid  }
0x8b: {  	s0 =	sand.u32 $0x1, s1  }
0x8c: {  	s17 =	sshll.u32 s0, $0xA;
	s2 =	sadd.s32 s3, s2  }
0x8d: {  	s2 =	sadd.s32 s2, s17  }
0x8e: {  	[smem:$0x3FC4] =	sst s2  }
0x8f: {  	_ = 	snop  }
0x90: {  	s2 =	sld [smem:$0x3FC8]  }
0x91: {  	s18 =	sld [smem:$0x3FD0];
	(tm) =	ssettm $0x1  }
0x92: {  	s4 =	sld [smem:$0x3FFB];
	_ =	sdelay $0x3  }
0x93: {  	_ =	strace s4  }
0x94: {  	s4 =	sld [smem:$0x3FFC];
	_ =	sdelay $0x3  }
0x95: {  	_ =	strace s4  }
0x96: {  	s4 =	sld [smem:$0x3FFD];
	_ =	sdelay $0x3  }
0x97: {  	_ =	strace s4  }
0x98: {  	_ =	strace $0x8FFFFFFF  }
0x99: {  	s19 =	sld [smem:$0x3FDB];
	_ =	sdelay $0x1  }
0x9a: {  	s5 =	simm.s32 $_scs_section_size  }
0x9b: {  	s6 =	simm.s32 $_size__tile_overlayer_lowered;
	s7 =	simm.s32 $_tile_overlayer_lowered  }
0x9c: {  	s22 =	simm.s32 $0x1BFF;
	s21 =	sshll.u32 s7, $0x1;
	s4 =	sadd.s32 s5, s19  }
0x9d: {  	s8 =	simm.s32 $0x0;
	s20 =	sshll.u32 s6, $0x1;
	s6 =	sadd.s32 s21, s4  }
0x9e: {  	[timem:s8], [sflag:s22] =	dma.local [hbm:s6], s20  }
0x9f: {  	_ =	swait.ge [sflag:s22], s20  }
0xa0: {  	s5 =	ssub.s32 $0x0, s20;
	[sflag:s22] =	ssyncset.done $0x0  }
0xa1: {  	[sflag:s22] =	ssyncadd.s32 s5;
	_ =	sdelay $0x1  }
0xa2: {  	s23 =	simm.s32 $0x1B8B  }
0xa3: {  	_ =	swait.ge [sflag:s23], $0x1  }
0xa4: {  	[sflag:s23] =	ssyncset.done $0x0  }
0xa5: {  	s25 =	simm.s32 $0x1B8E;
	s24 =	sld [smem:$0x3FFE];
	[sflag:s23] =	ssyncadd.s32 $0xFFFFFFFF  }
0xa6: {  	s26 =	simm.s32 $execute0_lowered;
	[smem:$0x3FD2] =	sst s25  }
0xa7: {  	s6 =	sshll.u32 s26, $0x1;
	_ =	strace $0x80000046;
	[dreg:$0x1] =	wrdreg $0xFFFFFFFF  }
0xa8: {  	s28 =	simm.s32 $_size_execute0_lowered;
	s4 =	sadd.s32 s4, s6;
	[dreg:$0x0] =	wrdreg $0x0  }
0xa9: {  	s6 =	sshll.u32 s28, $0x1;
	[dreg:$0x2] =	wrdreg s4  }
0xaa: {  	[dreg:$0x3] =	wrdreg s6  }
0xab: {  	[dreg:$0x4] =	wrdreg $0xC0  }
0xac: {  	_ =	task [dreg:s8], $0x5FFFF  }
0xad: {  	[dreg:$0x1] =	wrdreg $0xFFFFFFFF  }
0xae: {  	[dreg:$0x0] =	wrdreg $0x60  }
0xaf: {  	[dreg:$0x2] =	wrdreg s24  }
0xb0: {  	[dreg:$0x3] =	wrdreg s2  }
0xb1: {  	[dreg:$0x4] =	wrdreg s18  }
0xb2: {  	[dreg:$0x5] =	wrdreg $0x9  }
0xb3: {  	_ =	task.clear_ibuf [dreg:s8], $0x6FFFF;
	_ =	strace $0x90000046  }
0xb4: {  	s29 =	simm.s32 $0x9;
	_ =	strace $0x80000048  }
0xb5: {  	_ =	swait.ge [sflag:s29], $0x1  }
0xb6: {  	[sflag:s29] =	ssyncadd.s32 $0xFFFFFFFF  }
0xb7: {  	_ =	strace $0x90000048  }
0xb8: {  	_ =	sfence  }
0xb9: {  	s30 =	sld [smem:$0x0];
	_ =	sdelay $0x2  }
0xba: {  	s31 =	sshll.u32 s1, $0xD;
	s1 =	sshrl.u32 s1, $0x2  }
0xbb: {  	s3 =	sand.u32 $0x4000, s31;
	s1 =	sadd.s32 s1, s30  }
0xbc: {  	s0 =	sor.u32 s3, s0;
	s1 =	sshll.u32 s1, $0x11  }
0xbd: {  	s0 =	sor.u32 s1, s0  }
0xbe: {  	s0 =	sadd.s32 $0x8F2B, s0  }
0xbf: {  	[sflag:s0] =	ssyncadd.remote.s32 $0x1  }
0xc0: {  	_ =	sfence.sel $0xFFFF  }
0xc1: {  	[dreg:$0x0] =	wrdreg $0xFFFFFFFF;
	(pc) =	sbr.abs _section_cstart, $3  }
0xc2: {  	[dreg:$0x1] =	wrdreg $0xFFFFFFFF  }
0xc3: {  	_ =	task.clear_ibuf [dreg:s8], $0x2FFFF;
	_ =	strace $0x9FFFFFFF  }
0xc4: {  	(tm) =	ssettm $0x7FFFFFFF  }
0xc5: {  	_ =	shalt  }
tec
execute0_lowered:
.L_overlay_start_1:
0x0: {  	(tag) =	ssettag $0x1  }
0x1: {  	s4 =	rddreg [dreg:$0x0]  }
0x2: {  	s5 =	rddreg [dreg:$0x1]  }
0x3: {  	s2 =	rddreg [dreg:$0x2];
	s3 =	srdreg.scid  }
0x4: {  	s0 =	rddreg [dreg:$0x3];
	s1 =	stileid.u32  }
0x5: {  	s11 =	simm.s32 $0x100;
	s12 =	simm.s32 $0x1;
	s13 =	simm.s32 $0x0  }
0x6: {  	s8 =	sand.u32 $0x1, s3;
	s3 =	simm.s32 $0x0;
	s6 =	sshll.u32 s1, $0x6  }
0x7: {  	s31 =	sshll.u32 s1, $0x15;
	s7 =	sshll.u32 s8, $0x5;
	[smem:$0x7FF] =	sst s3  }
0x8: {  	s30 =	ssub.s32 $0x2, s8;
	s8 =	sshll.u32 s8, $0x14;
	s6 =	sor.u32 s7, s6  }
0x9: {  	_ =	strace $0x80000047;
	s10 =	sshrl.u32 s30, $0x1;
	s8 =	sor.u32 s8, s31  }
0xa: {  	s6 =	sshrl.u32 s6, $0x3;
	s7 =	ssub.s32 s30, s10;
	s10 =	simm.s32 $0x80  }
0xb: {  	s9 =	sadd.s32 s6, s4;
	s4 =	sadd.s32 $0x600, s4;
	s5 =	sadd.s32 s5, s6  }
0xc: {  	v0 =	vlaneseq.u32;
	s7 =	smax.u32 s7, $0x1;
	s6 =	sadd.s32 $0x200, s9;
	s9 =	simm.s32 $0x2  }
.LBB2_1:
0xd: {  	[tilespmem:s3], [sflag:$0x2] =	stream.linear.gather [hbm4b:s5+s3], $0x20, $0x38;
	[tilespmem:$0x6400] =	vst v63  }
0xe: {  	_ =	swait.ge [sflag:s9], $0x20  }
0xf: {  	[sflag:s9] =	ssyncset.done $0x0  }
0x10: {  	[sflag:s9] =	ssyncadd.s32 $0xFFFFFFE0  }
0x11: {  	[tilespmem:s10], [sflag:$0x2] =	stream.linear.gather [hbm4b:s6+s3], $0x20, $0x38;
	[tilespmem:$0x6400] =	vst v63  }
0x12: {  	_ =	swait.ge [sflag:s9], $0x20  }
0x13: {  	[sflag:s9] =	ssyncset.done $0x0  }
0x14: {  	[sflag:s9] =	ssyncadd.s32 $0xFFFFFFE0  }
0x15: {  	[tilespmem:s11], [sflag:$0x2] =	stream.linear.gather [hbm4b:s4+s3], $0x200, $0x38;
	[tilespmem:$0x6400] =	vst v63  }
0x16: {  	_ =	swait.ge [sflag:s9], $0x200  }
0x17: {  	[sflag:s9] =	ssyncset.done $0x0  }
0x18: {  	[sflag:s9] =	ssyncadd.s32 $0xFFFFFE00  }
0x19: {  	v1 =	vld [tilespmem:$0x0];
	_ =	sdelay $0x1  }
0x1a: {  	v2 =	vld [tilespmem:$0x10];
	_ =	sdelay $0x2  }
0x1b: {  	v3 =	vand.u32 $0xFFFFFF80, v1  }
0x1c: {  	vm0 =	vlt.s32 v3, $0x3E80  }
0x1d: {  	v4 =	vand.u32 $0xFFFFFF80, v2;
	v3 =	vnsel vm0, $0x3E80, v3  }
0x1e: {  	vm15 =	vlt.s32 v4, $0x3E80;
	[tilespmem:$0x6300] =	vst v3;
	v1 =	vsub.s32 v1, v3  }
0x1f: {  	[tilespmem:$0x6380] =	vst v1;
	v1 =	vnsel vm15, $0x3E80, v4  }
0x20: {  	[tilespmem:$0x6310] =	vst v1;
	v1 =	vsub.s32 v2, v1  }
0x21: {  	s14 =	simm.s32 $0x0;
	[tilespmem:$0x6390] =	vst v1  }
0x22: {  	v1 =	vld [tilespmem:s14+$0x6300];
	_ =	sdelay $0x4  }
0x23: {  	(v2sf) =	vpush v1, $0x0;
	_ =	sdelay $0xe  }
0x24: {  	s30 =	spop (v2sf)  }
0x25: {  	s14 =	sshll.u32 s30, $0x1  }
0x26: {  	s14 =	sand.u32 $0x7FFFFF00, s14  }
0x27: {  	s14 =	sadd.s32 s14, s8  }
0x28: {  	s15 =	sshrl.u32 s14, $0x3  }
0x29: {  	s31 =	simm.s32 $0x1;
	s14 =	simm.s32 $0x300;
	s15 =	sadd.s32 s2, s15  }
0x2a: {  	[tilespmem:s14], [sflag:$0x1] =	stream.linear.gather [hbm4b:s15+s3], $0x300, $0x38;
	[tilespmem:$0x6400] =	vst v63  }
0x2b: {  	s16 =	simm.s32 $0x8;
	s15 =	smov.u32 s8;
	v1 =	vld [tilespmem:s31+$0x6300]  }
.LBB2_2:
0x2c: {  	p0 =	sne.s32 s16, $0x7C;
	_ =	sdelay $0x3  }
0x2d: {  	(v2sf) =	vpush v1, $0x0;
	_ =	sdelay $0xe  }
0x2e: {  	s17 =	spop (v2sf)  }
0x2f: {  	s17 =	sshll.u32 s17, $0x1  }
0x30: {  	s15 =	sadd.s32 $0x8000, s15;
	s17 =	sand.u32 $0x7FFFFF00, s17  }
.Ltmp0:
0x31: {  	s17 =	sadd.s32 s17, s15;
	(pc) =	sbr.rel @p0 .LBB2_2-.Ltmp0, $4  }
0x32: {  	s17 =	sshrl.u32 s17, $0x3  }
0x33: {  	s18 =	sshra.s32 s16, $0x2;
	s14 =	sadd.s32 $0x300, s14;
	s17 =	sadd.s32 s2, s17  }
0x34: {  	[tilespmem:s14], [sflag:$0x1] =	stream.linear.gather [hbm4b:s17+s3], $0x300, $0x38;
	[tilespmem:$0x6400] =	vst v63  }
0x35: {  	s16 =	sadd.s32 $0x4, s16;
	v1 =	vld [tilespmem:s18+$0x6300]  }
0x36: {  	_ =	sdelay $0x3  }
0x37: {  	(v2sf) =	vpush v1, $0x0;
	_ =	sdelay $0xe  }
0x38: {  	s16 =	spop (v2sf)  }
0x39: {  	s16 =	sshll.u32 s16, $0x1  }
0x3a: {  	s15 =	sadd.s32 $0x8000, s15;
	s16 =	sand.u32 $0x7FFFFF00, s16  }
0x3b: {  	s15 =	sadd.s32 s16, s15  }
0x3c: {  	s15 =	sshrl.u32 s15, $0x3  }
0x3d: {  	s14 =	sadd.s32 $0x300, s14;
	s15 =	sadd.s32 s2, s15  }
0x3e: {  	[tilespmem:s14], [sflag:$0x1] =	stream.linear.gather [hbm4b:s15+s3], $0x300, $0x38;
	[tilespmem:$0x6400] =	vst v63  }
0x3f: {  	_ =	swait.ge [sflag:s12], $0x300  }
0x40: {  	[sflag:s12] =	ssyncset.done $0x0  }
0x41: {  	[sflag:s12] =	ssyncadd.s32 $0xFFFFFD00  }
0x42: {  	_ =	swait.ge [sflag:s12], $0x300  }
0x43: {  	[sflag:s12] =	ssyncset.done $0x0  }
0x44: {  	[sflag:s12] =	ssyncadd.s32 $0xFFFFFD00  }
0x45: {  	_ =	swait.ge [sflag:s12], $0x300  }
0x46: {  	[sflag:s12] =	ssyncset.done $0x0  }
0x47: {  	[sflag:s12] =	ssyncadd.s32 $0xFFFFFD00  }
0x48: {  	_ =	swait.ge [sflag:s12], $0x300  }
0x49: {  	[sflag:s12] =	ssyncset.done $0x0  }
0x4a: {  	[sflag:s12] =	ssyncadd.s32 $0xFFFFFD00  }
0x4b: {  	_ =	swait.ge [sflag:s12], $0x300  }
0x4c: {  	[sflag:s12] =	ssyncset.done $0x0  }
0x4d: {  	[sflag:s12] =	ssyncadd.s32 $0xFFFFFD00  }
0x4e: {  	_ =	swait.ge [sflag:s12], $0x300  }
0x4f: {  	[sflag:s12] =	ssyncset.done $0x0  }
0x50: {  	[sflag:s12] =	ssyncadd.s32 $0xFFFFFD00  }
0x51: {  	_ =	swait.ge [sflag:s12], $0x300  }
0x52: {  	[sflag:s12] =	ssyncset.done $0x0  }
0x53: {  	[sflag:s12] =	ssyncadd.s32 $0xFFFFFD00  }
0x54: {  	_ =	swait.ge [sflag:s12], $0x300  }
0x55: {  	[sflag:s12] =	ssyncset.done $0x0  }
0x56: {  	[sflag:s12] =	ssyncadd.s32 $0xFFFFFD00  }
0x57: {  	_ =	swait.ge [sflag:s12], $0x300  }
0x58: {  	[sflag:s12] =	ssyncset.done $0x0  }
0x59: {  	[sflag:s12] =	ssyncadd.s32 $0xFFFFFD00  }
0x5a: {  	_ =	swait.ge [sflag:s12], $0x300  }
0x5b: {  	[sflag:s12] =	ssyncset.done $0x0  }
0x5c: {  	[sflag:s12] =	ssyncadd.s32 $0xFFFFFD00  }
0x5d: {  	_ =	swait.ge [sflag:s12], $0x300  }
0x5e: {  	[sflag:s12] =	ssyncset.done $0x0  }
0x5f: {  	[sflag:s12] =	ssyncadd.s32 $0xFFFFFD00  }
0x60: {  	_ =	swait.ge [sflag:s12], $0x300  }
0x61: {  	[sflag:s12] =	ssyncset.done $0x0  }
0x62: {  	[sflag:s12] =	ssyncadd.s32 $0xFFFFFD00  }
0x63: {  	_ =	swait.ge [sflag:s12], $0x300  }
0x64: {  	[sflag:s12] =	ssyncset.done $0x0  }
0x65: {  	[sflag:s12] =	ssyncadd.s32 $0xFFFFFD00  }
0x66: {  	_ =	swait.ge [sflag:s12], $0x300  }
0x67: {  	[sflag:s12] =	ssyncset.done $0x0  }
0x68: {  	[sflag:s12] =	ssyncadd.s32 $0xFFFFFD00  }
0x69: {  	_ =	swait.ge [sflag:s12], $0x300  }
0x6a: {  	[sflag:s12] =	ssyncset.done $0x0  }
0x6b: {  	[sflag:s12] =	ssyncadd.s32 $0xFFFFFD00  }
0x6c: {  	_ =	swait.ge [sflag:s12], $0x300  }
0x6d: {  	[sflag:s12] =	ssyncset.done $0x0  }
0x6e: {  	[sflag:s12] =	ssyncadd.s32 $0xFFFFFD00  }
0x6f: {  	_ =	swait.ge [sflag:s12], $0x300  }
0x70: {  	[sflag:s12] =	ssyncset.done $0x0  }
0x71: {  	[sflag:s12] =	ssyncadd.s32 $0xFFFFFD00  }
0x72: {  	_ =	swait.ge [sflag:s12], $0x300  }
0x73: {  	[sflag:s12] =	ssyncset.done $0x0  }
0x74: {  	[sflag:s12] =	ssyncadd.s32 $0xFFFFFD00  }
0x75: {  	_ =	swait.ge [sflag:s12], $0x300  }
0x76: {  	[sflag:s12] =	ssyncset.done $0x0  }
0x77: {  	[sflag:s12] =	ssyncadd.s32 $0xFFFFFD00  }
0x78: {  	_ =	swait.ge [sflag:s12], $0x300  }
0x79: {  	[sflag:s12] =	ssyncset.done $0x0  }
0x7a: {  	[sflag:s12] =	ssyncadd.s32 $0xFFFFFD00  }
0x7b: {  	_ =	swait.ge [sflag:s12], $0x300  }
0x7c: {  	[sflag:s12] =	ssyncset.done $0x0  }
0x7d: {  	[sflag:s12] =	ssyncadd.s32 $0xFFFFFD00  }
0x7e: {  	_ =	swait.ge [sflag:s12], $0x300  }
0x7f: {  	[sflag:s12] =	ssyncset.done $0x0  }
0x80: {  	[sflag:s12] =	ssyncadd.s32 $0xFFFFFD00  }
0x81: {  	_ =	swait.ge [sflag:s12], $0x300  }
0x82: {  	[sflag:s12] =	ssyncset.done $0x0  }
0x83: {  	[sflag:s12] =	ssyncadd.s32 $0xFFFFFD00  }
0x84: {  	_ =	swait.ge [sflag:s12], $0x300  }
0x85: {  	[sflag:s12] =	ssyncset.done $0x0  }
0x86: {  	[sflag:s12] =	ssyncadd.s32 $0xFFFFFD00  }
0x87: {  	_ =	swait.ge [sflag:s12], $0x300  }
0x88: {  	[sflag:s12] =	ssyncset.done $0x0  }
0x89: {  	[sflag:s12] =	ssyncadd.s32 $0xFFFFFD00  }
0x8a: {  	_ =	swait.ge [sflag:s12], $0x300  }
0x8b: {  	[sflag:s12] =	ssyncset.done $0x0  }
0x8c: {  	[sflag:s12] =	ssyncadd.s32 $0xFFFFFD00  }
0x8d: {  	_ =	swait.ge [sflag:s12], $0x300  }
0x8e: {  	[sflag:s12] =	ssyncset.done $0x0  }
0x8f: {  	[sflag:s12] =	ssyncadd.s32 $0xFFFFFD00  }
0x90: {  	_ =	swait.ge [sflag:s12], $0x300  }
0x91: {  	[sflag:s12] =	ssyncset.done $0x0  }
0x92: {  	[sflag:s12] =	ssyncadd.s32 $0xFFFFFD00  }
0x93: {  	_ =	swait.ge [sflag:s12], $0x300  }
0x94: {  	[sflag:s12] =	ssyncset.done $0x0  }
0x95: {  	[sflag:s12] =	ssyncadd.s32 $0xFFFFFD00  }
0x96: {  	_ =	swait.ge [sflag:s12], $0x300  }
0x97: {  	[sflag:s12] =	ssyncset.done $0x0  }
0x98: {  	[sflag:s12] =	ssyncadd.s32 $0xFFFFFD00  }
0x99: {  	_ =	swait.ge [sflag:s12], $0x300  }
0x9a: {  	[sflag:s12] =	ssyncset.done $0x0  }
0x9b: {  	[sflag:s12] =	ssyncadd.s32 $0xFFFFFD00  }
0x9c: {  	_ =	swait.ge [sflag:s12], $0x300  }
0x9d: {  	[sflag:s12] =	ssyncset.done $0x0  }
0x9e: {  	s15 =	simm.s32 $0x6380;
	[sflag:s12] =	ssyncadd.s32 $0xFFFFFD00  }
0x9f: {  	v1 =	vld [tilespmem:s15+$0x0];
	_ =	sdelay $0x4  }
0xa0: {  	(v2sf) =	vpush v1, $0x0;
	_ =	sdelay $0x3  }
0xa1: {  	s17 =	simm.s32 $0x0  }
0xa2: {  	v2 =	vmov s17;
	_ =	sdelay $0x1  }
0xa3: {  	v1 =	vbroadcast v1, $0x0;
	_ =	sdelay $0x1  }
0xa4: {  	v4 =	vld [tilespmem:$0x100];
	v3 =	vadd.s32 v0, v1  }
0xa5: {  	v1 =	vld.idx.msk [tilespmem:v2+s10+$0x0], $0xffff;
	v2 =	vshll.u32 v3, $0x1  }
0xa6: {  	v3 =	vand.u32 $0x7F, v3;
	v2 =	vand.u32 $0xFFFFFF00, v2  }
0xa7: {  	v2 =	vor.u32 v3, v2;
	_ =	sdelay $0x2  }
0xa8: {  	v3 =	vmul.f32 v4, v1;
	s16 =	spop (v2sf)  }
0xa9: {  	s14 =	simm.s32 $0x300;
	s17 =	sadd.s32 $0x10, s16  }
0xaa: {  	[tilespmem:v2+s14+$0x0] =	vst.idx.add.f32.msk $0xffff, v3;
	v3 =	vadd.s32 s17, v0  }
0xab: {  	v21 =	vld [tilespmem:$0x110];
	v5 =	vshll.u32 v3, $0x1  }
0xac: {  	v3 =	vand.u32 $0x7F, v3;
	v5 =	vand.u32 $0xFFFFFF00, v5  }
0xad: {  	v3 =	vor.u32 v3, v5;
	_ =	sdelay $0x2  }
0xae: {  	v4 =	vmul.f32 v21, v1  }
0xaf: {  	s18 =	sadd.s32 $0x20, s16  }
0xb0: {  	v22 =	vadd.s32 s18, v0;
	[tilespmem:v3+s14+$0x0] =	vst.idx.add.f32.msk $0xffff, v4  }
0xb1: {  	v23 =	vshll.u32 v22, $0x1;
	v6 =	vld [tilespmem:$0x120]  }
0xb2: {  	v5 =	vand.u32 $0x7F, v22;
	v4 =	vand.u32 $0xFFFFFF00, v23  }
0xb3: {  	v4 =	vor.u32 v5, v4;
	_ =	sdelay $0x2  }
0xb4: {  	v24 =	vmul.f32 v6, v1  }
0xb5: {  	s19 =	sadd.s32 $0x30, s16  }
0xb6: {  	v25 =	vadd.s32 s19, v0;
	[tilespmem:v4+s14+$0x0] =	vst.idx.add.f32.msk $0xffff, v24  }
0xb7: {  	v26 =	vshll.u32 v25, $0x1;
	v7 =	vld [tilespmem:$0x130]  }
0xb8: {  	v5 =	vand.u32 $0xFFFFFF00, v26;
	v6 =	vand.u32 $0x7F, v25  }
0xb9: {  	v5 =	vor.u32 v6, v5;
	_ =	sdelay $0x2  }
0xba: {  	v27 =	vmul.f32 v7, v1  }
0xbb: {  	s20 =	sadd.s32 $0x40, s16  }
0xbc: {  	v28 =	vadd.s32 s20, v0;
	[tilespmem:v5+s14+$0x0] =	vst.idx.add.f32.msk $0xffff, v27  }
0xbd: {  	v29 =	vshll.u32 v28, $0x1;
	v8 =	vld [tilespmem:$0x140]  }
0xbe: {  	v6 =	vand.u32 $0xFFFFFF00, v29;
	v7 =	vand.u32 $0x7F, v28  }
0xbf: {  	v6 =	vor.u32 v7, v6;
	_ =	sdelay $0x2  }
0xc0: {  	v30 =	vmul.f32 v8, v1  }
0xc1: {  	s21 =	sadd.s32 $0x50, s16  }
0xc2: {  	v31 =	vadd.s32 s21, v0;
	[tilespmem:v6+s14+$0x0] =	vst.idx.add.f32.msk $0xffff, v30  }
0xc3: {  	v32 =	vshll.u32 v31, $0x1;
	v9 =	vld [tilespmem:$0x150]  }
0xc4: {  	v7 =	vand.u32 $0xFFFFFF00, v32;
	v8 =	vand.u32 $0x7F, v31  }
0xc5: {  	v7 =	vor.u32 v8, v7;
	_ =	sdelay $0x2  }
0xc6: {  	v33 =	vmul.f32 v9, v1  }
0xc7: {  	s22 =	sadd.s32 $0x60, s16  }
0xc8: {  	v34 =	vadd.s32 s22, v0;
	[tilespmem:v7+s14+$0x0] =	vst.idx.add.f32.msk $0xffff, v33  }
0xc9: {  	v35 =	vshll.u32 v34, $0x1;
	v10 =	vld [tilespmem:$0x160]  }
0xca: {  	v8 =	vand.u32 $0xFFFFFF00, v35;
	v9 =	vand.u32 $0x7F, v34  }
0xcb: {  	v8 =	vor.u32 v9, v8;
	_ =	sdelay $0x2  }
0xcc: {  	v36 =	vmul.f32 v10, v1  }
0xcd: {  	s23 =	sadd.s32 $0x70, s16  }
0xce: {  	v37 =	vadd.s32 s23, v0;
	[tilespmem:v8+s14+$0x0] =	vst.idx.add.f32.msk $0xffff, v36  }
0xcf: {  	v38 =	vshll.u32 v37, $0x1;
	v11 =	vld [tilespmem:$0x170]  }
0xd0: {  	v9 =	vand.u32 $0xFFFFFF00, v38;
	v10 =	vand.u32 $0x7F, v37  }
0xd1: {  	v9 =	vor.u32 v10, v9;
	_ =	sdelay $0x2  }
0xd2: {  	v39 =	vmul.f32 v11, v1  }
0xd3: {  	s24 =	sadd.s32 $0x80, s16  }
0xd4: {  	v40 =	vadd.s32 s24, v0;
	[tilespmem:v9+s14+$0x0] =	vst.idx.add.f32.msk $0xffff, v39  }
0xd5: {  	v41 =	vshll.u32 v40, $0x1;
	v12 =	vld [tilespmem:$0x180]  }
0xd6: {  	v10 =	vand.u32 $0xFFFFFF00, v41;
	v11 =	vand.u32 $0x7F, v40  }
0xd7: {  	v10 =	vor.u32 v11, v10;
	_ =	sdelay $0x2  }
0xd8: {  	v42 =	vmul.f32 v12, v1  }
0xd9: {  	s25 =	sadd.s32 $0x90, s16  }
0xda: {  	v43 =	vadd.s32 s25, v0;
	[tilespmem:v10+s14+$0x0] =	vst.idx.add.f32.msk $0xffff, v42  }
0xdb: {  	v44 =	vshll.u32 v43, $0x1;
	v13 =	vld [tilespmem:$0x190]  }
0xdc: {  	v11 =	vand.u32 $0xFFFFFF00, v44;
	v12 =	vand.u32 $0x7F, v43  }
0xdd: {  	v11 =	vor.u32 v12, v11;
	_ =	sdelay $0x2  }
0xde: {  	v45 =	vmul.f32 v13, v1  }
0xdf: {  	s26 =	sadd.s32 $0xA0, s16  }
0xe0: {  	v46 =	vadd.s32 s26, v0;
	[tilespmem:v11+s14+$0x0] =	vst.idx.add.f32.msk $0xffff, v45  }
0xe1: {  	v47 =	vshll.u32 v46, $0x1;
	v14 =	vld [tilespmem:$0x1A0]  }
0xe2: {  	v12 =	vand.u32 $0xFFFFFF00, v47;
	v13 =	vand.u32 $0x7F, v46  }
0xe3: {  	v12 =	vor.u32 v13, v12;
	_ =	sdelay $0x2  }
0xe4: {  	v48 =	vmul.f32 v14, v1  }
0xe5: {  	s28 =	sadd.s32 $0xB0, s16  }
0xe6: {  	v49 =	vadd.s32 s28, v0;
	[tilespmem:v12+s14+$0x0] =	vst.idx.add.f32.msk $0xffff, v48  }
0xe7: {  	v50 =	vshll.u32 v49, $0x1;
	v15 =	vld [tilespmem:$0x1B0]  }
0xe8: {  	v13 =	vand.u32 $0xFFFFFF00, v50;
	v14 =	vand.u32 $0x7F, v49  }
0xe9: {  	v13 =	vor.u32 v14, v13;
	_ =	sdelay $0x2  }
0xea: {  	v51 =	vmul.f32 v15, v1  }
0xeb: {  	s29 =	sadd.s32 $0xC0, s16  }
0xec: {  	v52 =	vadd.s32 s29, v0;
	[tilespmem:v13+s14+$0x0] =	vst.idx.add.f32.msk $0xffff, v51  }
0xed: {  	v53 =	vshll.u32 v52, $0x1;
	v16 =	vld [tilespmem:$0x1C0]  }
0xee: {  	v14 =	vand.u32 $0xFFFFFF00, v53;
	v15 =	vand.u32 $0x7F, v52  }
0xef: {  	v14 =	vor.u32 v15, v14;
	_ =	sdelay $0x2  }
0xf0: {  	v54 =	vmul.f32 v16, v1  }
0xf1: {  	s30 =	sadd.s32 $0xD0, s16  }
0xf2: {  	v55 =	vadd.s32 s30, v0;
	[tilespmem:v14+s14+$0x0] =	vst.idx.add.f32.msk $0xffff, v54  }
0xf3: {  	v56 =	vshll.u32 v55, $0x1;
	v17 =	vld [tilespmem:$0x1D0]  }
0xf4: {  	v15 =	vand.u32 $0xFFFFFF00, v56;
	v16 =	vand.u32 $0x7F, v55  }
0xf5: {  	v15 =	vor.u32 v16, v15;
	_ =	sdelay $0x2  }
0xf6: {  	v57 =	vmul.f32 v17, v1  }
0xf7: {  	s31 =	sadd.s32 $0xE0, s16  }
0xf8: {  	v58 =	vadd.s32 s31, v0;
	[tilespmem:v15+s14+$0x0] =	vst.idx.add.f32.msk $0xffff, v57  }
0xf9: {  	v59 =	vshll.u32 v58, $0x1;
	v18 =	vld [tilespmem:$0x1E0]  }
0xfa: {  	v16 =	vand.u32 $0xFFFFFF00, v59;
	v17 =	vand.u32 $0x7F, v58  }
0xfb: {  	v16 =	vor.u32 v17, v16;
	_ =	sdelay $0x2  }
0xfc: {  	v60 =	vmul.f32 v18, v1  }
0xfd: {  	s16 =	sadd.s32 $0xF0, s16  }
0xfe: {  	v61 =	vadd.s32 s16, v0;
	[tilespmem:v16+s14+$0x0] =	vst.idx.add.f32.msk $0xffff, v60  }
0xff: {  	v62 =	vshll.u32 v61, $0x1;
	v19 =	vld [tilespmem:$0x1F0]  }
0x100: {  	v17 =	vand.u32 $0xFFFFFF00, v62;
	v18 =	vand.u32 $0x7F, v61  }
0x101: {  	v17 =	vor.u32 v18, v17;
	_ =	sdelay $0x2  }
0x102: {  	v63 =	vmul.f32 v19, v1;
	_ =	sdelay $0x1  }
0x103: {  	[tilespmem:v17+s14+$0x0] =	vst.idx.add.f32.msk $0xffff, v63  }
0x104: {  	v18 =	vld [tilespmem:$0x200];
	_ =	sdelay $0x1  }
0x105: {  	v2 =	vor.u32 $0x80, v2;
	_ =	sdelay $0x2  }
0x106: {  	v18 =	vmul.f32 v18, v1;
	_ =	sdelay $0x1  }
0x107: {  	[tilespmem:v2+s14+$0x0] =	vst.idx.add.f32.msk $0xffff, v18  }
0x108: {  	v2 =	vld [tilespmem:$0x210];
	_ =	sdelay $0x1  }
0x109: {  	v3 =	vor.u32 $0x80, v3;
	_ =	sdelay $0x2  }
0x10a: {  	v2 =	vmul.f32 v2, v1;
	_ =	sdelay $0x1  }
0x10b: {  	[tilespmem:v3+s14+$0x0] =	vst.idx.add.f32.msk $0xffff, v2  }
0x10c: {  	v2 =	vld [tilespmem:$0x220];
	_ =	sdelay $0x1  }
0x10d: {  	v3 =	vor.u32 $0x80, v4;
	_ =	sdelay $0x2  }
0x10e: {  	v2 =	vmul.f32 v2, v1;
	_ =	sdelay $0x1  }
0x10f: {  	[tilespmem:v3+s14+$0x0] =	vst.idx.add.f32.msk $0xffff, v2  }
0x110: {  	v2 =	vld [tilespmem:$0x230];
	_ =	sdelay $0x1  }
0x111: {  	v3 =	vor.u32 $0x80, v5;
	_ =	sdelay $0x2  }
0x112: {  	v2 =	vmul.f32 v2, v1;
	_ =	sdelay $0x1  }
0x113: {  	[tilespmem:v3+s14+$0x0] =	vst.idx.add.f32.msk $0xffff, v2  }
0x114: {  	v2 =	vld [tilespmem:$0x240];
	_ =	sdelay $0x1  }
0x115: {  	v3 =	vor.u32 $0x80, v6;
	_ =	sdelay $0x2  }
0x116: {  	v2 =	vmul.f32 v2, v1;
	_ =	sdelay $0x1  }
0x117: {  	[tilespmem:v3+s14+$0x0] =	vst.idx.add.f32.msk $0xffff, v2  }
0x118: {  	v2 =	vld [tilespmem:$0x250];
	_ =	sdelay $0x1  }
0x119: {  	v3 =	vor.u32 $0x80, v7;
	_ =	sdelay $0x2  }
0x11a: {  	v2 =	vmul.f32 v2, v1;
	_ =	sdelay $0x1  }
0x11b: {  	[tilespmem:v3+s14+$0x0] =	vst.idx.add.f32.msk $0xffff, v2  }
0x11c: {  	v2 =	vld [tilespmem:$0x260];
	_ =	sdelay $0x1  }
0x11d: {  	v3 =	vor.u32 $0x80, v8;
	_ =	sdelay $0x2  }
0x11e: {  	v2 =	vmul.f32 v2, v1;
	_ =	sdelay $0x1  }
0x11f: {  	[tilespmem:v3+s14+$0x0] =	vst.idx.add.f32.msk $0xffff, v2  }
0x120: {  	v2 =	vld [tilespmem:$0x270];
	_ =	sdelay $0x1  }
0x121: {  	v3 =	vor.u32 $0x80, v9;
	_ =	sdelay $0x2  }
0x122: {  	v2 =	vmul.f32 v2, v1;
	_ =	sdelay $0x1  }
0x123: {  	[tilespmem:v3+s14+$0x0] =	vst.idx.add.f32.msk $0xffff, v2  }
0x124: {  	v2 =	vld [tilespmem:$0x280];
	_ =	sdelay $0x1  }
0x125: {  	v3 =	vor.u32 $0x80, v10;
	_ =	sdelay $0x2  }
0x126: {  	v2 =	vmul.f32 v2, v1;
	_ =	sdelay $0x1  }
0x127: {  	[tilespmem:v3+s14+$0x0] =	vst.idx.add.f32.msk $0xffff, v2  }
0x128: {  	v2 =	vld [tilespmem:$0x290];
	_ =	sdelay $0x1  }
0x129: {  	v3 =	vor.u32 $0x80, v11;
	_ =	sdelay $0x2  }
0x12a: {  	v2 =	vmul.f32 v2, v1;
	_ =	sdelay $0x1  }
0x12b: {  	[tilespmem:v3+s14+$0x0] =	vst.idx.add.f32.msk $0xffff, v2  }
0x12c: {  	v2 =	vld [tilespmem:$0x2A0];
	_ =	sdelay $0x1  }
0x12d: {  	v3 =	vor.u32 $0x80, v12;
	_ =	sdelay $0x2  }
0x12e: {  	v2 =	vmul.f32 v2, v1;
	_ =	sdelay $0x1  }
0x12f: {  	[tilespmem:v3+s14+$0x0] =	vst.idx.add.f32.msk $0xffff, v2  }
0x130: {  	v2 =	vld [tilespmem:$0x2B0];
	_ =	sdelay $0x1  }
0x131: {  	v3 =	vor.u32 $0x80, v13;
	_ =	sdelay $0x2  }
0x132: {  	v2 =	vmul.f32 v2, v1;
	_ =	sdelay $0x1  }
0x133: {  	[tilespmem:v3+s14+$0x0] =	vst.idx.add.f32.msk $0xffff, v2  }
0x134: {  	v2 =	vld [tilespmem:$0x2C0];
	_ =	sdelay $0x1  }
0x135: {  	v3 =	vor.u32 $0x80, v14;
	_ =	sdelay $0x2  }
0x136: {  	v2 =	vmul.f32 v2, v1;
	_ =	sdelay $0x1  }
0x137: {  	[tilespmem:v3+s14+$0x0] =	vst.idx.add.f32.msk $0xffff, v2  }
0x138: {  	v2 =	vld [tilespmem:$0x2D0];
	_ =	sdelay $0x1  }
0x139: {  	v3 =	vor.u32 $0x80, v15;
	_ =	sdelay $0x2  }
0x13a: {  	v2 =	vmul.f32 v2, v1;
	_ =	sdelay $0x1  }
0x13b: {  	[tilespmem:v3+s14+$0x0] =	vst.idx.add.f32.msk $0xffff, v2  }
0x13c: {  	v2 =	vld [tilespmem:$0x2E0];
	_ =	sdelay $0x1  }
0x13d: {  	v3 =	vor.u32 $0x80, v16;
	_ =	sdelay $0x2  }
0x13e: {  	v2 =	vmul.f32 v2, v1;
	_ =	sdelay $0x1  }
0x13f: {  	[tilespmem:v3+s14+$0x0] =	vst.idx.add.f32.msk $0xffff, v2  }
0x140: {  	v3 =	vld [tilespmem:$0x2F0];
	_ =	sdelay $0x1  }
0x141: {  	v2 =	vor.u32 $0x80, v17;
	_ =	sdelay $0x2  }
0x142: {  	s16 =	simm.s32 $0x1;
	s17 =	simm.s32 $0x300;
	v1 =	vmul.f32 v3, v1  }
.LBB2_4:
0x143: {  	_ = 	snop  }
0x144: {  	p0 =	sne.s32 s16, $0x1F;
	s15 =	sadd.s32 $0x1, s15;
	[tilespmem:v2+s17+$0x0] =	vst.idx.add.f32.msk $0xffff, v1;
	s17 =	sadd.s32 $0x300, s17  }
0x145: {  	s18 =	smov.u32 s16;
	s16 =	sadd.s32 $0x1, s16;
	v1 =	vld [tilespmem:s15+$0x0];
	_ =	sdelay $0x4  }
0x146: {  	v2 =	vbroadcast v1, $0x0;
	(v2sf) =	vpush v1, $0x0;
	_ =	sdelay $0x1  }
0x147: {  	v1 =	vadd.s32 v0, v2  }
0x148: {  	v2 =	vshll.u32 v1, $0x1  }
0x149: {  	v3 =	vmov s18;
	v1 =	vand.u32 $0x7F, v1;
	v2 =	vand.u32 $0xFFFFFF00, v2  }
0x14a: {  	v2 =	vor.u32 v1, v2;
	_ =	sdelay $0x3  }
0x14b: {  	v1 =	vld.idx.msk [tilespmem:v3+s10+$0x0], $0xffff  }
0x14c: {  	v3 =	vld [tilespmem:$0x100];
	_ =	sdelay $0x4  }
0x14d: {  	v3 =	vmul.f32 v3, v1;
	s18 =	spop (v2sf)  }
0x14e: {  	s19 =	sadd.s32 $0x10, s18;
	s20 =	sadd.s32 $0x20, s18;
	s21 =	sadd.s32 $0x30, s18  }
0x14f: {  	[tilespmem:v2+s17+$0x0] =	vst.idx.add.f32.msk $0xffff, v3;
	v3 =	vadd.s32 s19, v0;
	v4 =	vadd.s32 s20, v0;
	v5 =	vadd.s32 s21, v0;
	s19 =	sadd.s32 $0x40, s18;
	s20 =	sadd.s32 $0x50, s18;
	s21 =	sadd.s32 $0x60, s18  }
0x150: {  	s22 =	sadd.s32 $0x70, s18;
	s23 =	sadd.s32 $0x80, s18;
	s24 =	sadd.s32 $0x90, s18;
	v6 =	vld [tilespmem:$0x110];
	v7 =	vshll.u32 v3, $0x1;
	v8 =	vshll.u32 v4, $0x1;
	v9 =	vshll.u32 v5, $0x1  }
0x151: {  	s25 =	sadd.s32 $0xA0, s18;
	s26 =	sadd.s32 $0xB0, s18;
	s28 =	sadd.s32 $0xC0, s18;
	v3 =	vand.u32 $0x7F, v3;
	v7 =	vand.u32 $0xFFFFFF00, v7;
	v8 =	vand.u32 $0xFFFFFF00, v8  }
0x152: {  	s29 =	sadd.s32 $0xE0, s18;
	v3 =	vor.u32 v3, v7;
	v7 =	vand.u32 $0xFFFFFF00, v9;
	v9 =	vadd.s32 s19, v0;
	s19 =	sadd.s32 $0xD0, s18;
	s18 =	sadd.s32 $0xF0, s18  }
0x153: {  	v11 =	vadd.s32 s20, v0;
	v12 =	vadd.s32 s21, v0;
	v10 =	vshll.u32 v9, $0x1  }
0x154: {  	v13 =	vshll.u32 v11, $0x1;
	v14 =	vshll.u32 v12, $0x1;
	v10 =	vand.u32 $0xFFFFFF00, v10  }
0x155: {  	v22 =	vand.u32 $0xFFFFFF00, v13;
	v23 =	vand.u32 $0xFFFFFF00, v14;
	v6 =	vmul.f32 v6, v1  }
0x156: {  	v24 =	vadd.s32 s22, v0;
	v25 =	vadd.s32 s23, v0;
	v26 =	vadd.s32 s24, v0  }
0x157: {  	v13 =	vshll.u32 v25, $0x1;
	v14 =	vshll.u32 v26, $0x1;
	[tilespmem:v3+s17+$0x0] =	vst.idx.add.f32.msk $0xffff, v6;
	v6 =	vshll.u32 v24, $0x1  }
0x158: {  	v28 =	vand.u32 $0xFFFFFF00, v13;
	v29 =	vand.u32 $0xFFFFFF00, v14;
	v17 =	vld [tilespmem:$0x120];
	v27 =	vand.u32 $0xFFFFFF00, v6  }
0x159: {  	v30 =	vadd.s32 s25, v0;
	v4 =	vand.u32 $0x7F, v4;
	v13 =	vadd.s32 s26, v0  }
0x15a: {  	v4 =	vor.u32 v4, v8;
	v8 =	vshll.u32 v13, $0x1;
	v6 =	vshll.u32 v30, $0x1  }
0x15b: {  	v14 =	vadd.s32 s28, v0;
	v32 =	vand.u32 $0xFFFFFF00, v8;
	v31 =	vand.u32 $0xFFFFFF00, v6  }
0x15c: {  	v16 =	vadd.s32 s29, v0;
	v15 =	vadd.s32 s19, v0;
	v6 =	vshll.u32 v14, $0x1  }
0x15d: {  	v21 =	vand.u32 $0xFFFFFF00, v6;
	v6 =	vshll.u32 v15, $0x1;
	v8 =	vmul.f32 v17, v1  }
0x15e: {  	v20 =	vand.u32 $0xFFFFFF00, v6;
	v6 =	vshll.u32 v16, $0x1;
	v17 =	vadd.s32 s18, v0  }
0x15f: {  	v19 =	vand.u32 $0xFFFFFF00, v6;
	v6 =	vshll.u32 v17, $0x1;
	[tilespmem:v4+s17+$0x0] =	vst.idx.add.f32.msk $0xffff, v8  }
0x160: {  	v18 =	vand.u32 $0xFFFFFF00, v6;
	v8 =	vld [tilespmem:$0x130]  }
0x161: {  	v5 =	vand.u32 $0x7F, v5  }
0x162: {  	v5 =	vor.u32 v5, v7;
	_ =	sdelay $0x2  }
0x163: {  	v6 =	vmul.f32 v8, v1;
	_ =	sdelay $0x1  }
0x164: {  	[tilespmem:v5+s17+$0x0] =	vst.idx.add.f32.msk $0xffff, v6  }
0x165: {  	v7 =	vld [tilespmem:$0x140]  }
0x166: {  	v6 =	vand.u32 $0x7F, v9  }
0x167: {  	v6 =	vor.u32 v6, v10;
	_ =	sdelay $0x2  }
0x168: {  	v7 =	vmul.f32 v7, v1;
	_ =	sdelay $0x1  }
0x169: {  	[tilespmem:v6+s17+$0x0] =	vst.idx.add.f32.msk $0xffff, v7  }
0x16a: {  	v8 =	vld [tilespmem:$0x150]  }
0x16b: {  	v7 =	vand.u32 $0x7F, v11  }
0x16c: {  	v7 =	vor.u32 v7, v22;
	_ =	sdelay $0x2  }
0x16d: {  	v8 =	vmul.f32 v8, v1;
	_ =	sdelay $0x1  }
0x16e: {  	[tilespmem:v7+s17+$0x0] =	vst.idx.add.f32.msk $0xffff, v8  }
0x16f: {  	v9 =	vld [tilespmem:$0x160]  }
0x170: {  	v8 =	vand.u32 $0x7F, v12  }
0x171: {  	v8 =	vor.u32 v8, v23;
	_ =	sdelay $0x2  }
0x172: {  	v9 =	vmul.f32 v9, v1;
	_ =	sdelay $0x1  }
0x173: {  	[tilespmem:v8+s17+$0x0] =	vst.idx.add.f32.msk $0xffff, v9  }
0x174: {  	v10 =	vld [tilespmem:$0x170]  }
0x175: {  	v9 =	vand.u32 $0x7F, v24  }
0x176: {  	v9 =	vor.u32 v9, v27;
	_ =	sdelay $0x2  }
0x177: {  	v10 =	vmul.f32 v10, v1;
	_ =	sdelay $0x1  }
0x178: {  	[tilespmem:v9+s17+$0x0] =	vst.idx.add.f32.msk $0xffff, v10  }
0x179: {  	v11 =	vld [tilespmem:$0x180]  }
0x17a: {  	v10 =	vand.u32 $0x7F, v25  }
0x17b: {  	v10 =	vor.u32 v10, v28;
	_ =	sdelay $0x2  }
0x17c: {  	v11 =	vmul.f32 v11, v1;
	_ =	sdelay $0x1  }
0x17d: {  	[tilespmem:v10+s17+$0x0] =	vst.idx.add.f32.msk $0xffff, v11  }
0x17e: {  	v12 =	vld [tilespmem:$0x190]  }
0x17f: {  	v11 =	vand.u32 $0x7F, v26  }
0x180: {  	v11 =	vor.u32 v11, v29;
	_ =	sdelay $0x2  }
0x181: {  	v12 =	vmul.f32 v12, v1;
	_ =	sdelay $0x1  }
0x182: {  	[tilespmem:v11+s17+$0x0] =	vst.idx.add.f32.msk $0xffff, v12  }
0x183: {  	v22 =	vld [tilespmem:$0x1A0]  }
0x184: {  	v12 =	vand.u32 $0x7F, v30  }
0x185: {  	v12 =	vor.u32 v12, v31;
	_ =	sdelay $0x2  }
0x186: {  	v22 =	vmul.f32 v22, v1;
	_ =	sdelay $0x1  }
0x187: {  	[tilespmem:v12+s17+$0x0] =	vst.idx.add.f32.msk $0xffff, v22  }
0x188: {  	v22 =	vld [tilespmem:$0x1B0]  }
0x189: {  	v13 =	vand.u32 $0x7F, v13  }
0x18a: {  	v13 =	vor.u32 v13, v32;
	_ =	sdelay $0x2  }
0x18b: {  	v22 =	vmul.f32 v22, v1;
	_ =	sdelay $0x1  }
0x18c: {  	[tilespmem:v13+s17+$0x0] =	vst.idx.add.f32.msk $0xffff, v22  }
0x18d: {  	v22 =	vld [tilespmem:$0x1C0]  }
0x18e: {  	v14 =	vand.u32 $0x7F, v14  }
0x18f: {  	v14 =	vor.u32 v14, v21;
	_ =	sdelay $0x2  }
0x190: {  	v21 =	vmul.f32 v22, v1;
	_ =	sdelay $0x1  }
0x191: {  	[tilespmem:v14+s17+$0x0] =	vst.idx.add.f32.msk $0xffff, v21  }
0x192: {  	v21 =	vld [tilespmem:$0x1D0]  }
0x193: {  	v15 =	vand.u32 $0x7F, v15  }
0x194: {  	v15 =	vor.u32 v15, v20;
	_ =	sdelay $0x2  }
0x195: {  	v20 =	vmul.f32 v21, v1;
	_ =	sdelay $0x1  }
0x196: {  	[tilespmem:v15+s17+$0x0] =	vst.idx.add.f32.msk $0xffff, v20  }
0x197: {  	v20 =	vld [tilespmem:$0x1E0]  }
0x198: {  	v16 =	vand.u32 $0x7F, v16  }
0x199: {  	v16 =	vor.u32 v16, v19;
	_ =	sdelay $0x2  }
0x19a: {  	v19 =	vmul.f32 v20, v1;
	_ =	sdelay $0x1  }
0x19b: {  	[tilespmem:v16+s17+$0x0] =	vst.idx.add.f32.msk $0xffff, v19  }
0x19c: {  	v19 =	vld [tilespmem:$0x1F0]  }
0x19d: {  	v17 =	vand.u32 $0x7F, v17  }
0x19e: {  	v17 =	vor.u32 v17, v18;
	_ =	sdelay $0x2  }
0x19f: {  	v18 =	vmul.f32 v19, v1;
	_ =	sdelay $0x1  }
0x1a0: {  	[tilespmem:v17+s17+$0x0] =	vst.idx.add.f32.msk $0xffff, v18  }
0x1a1: {  	v18 =	vld [tilespmem:$0x200];
	_ =	sdelay $0x1  }
0x1a2: {  	v2 =	vor.u32 $0x80, v2;
	_ =	sdelay $0x2  }
0x1a3: {  	v18 =	vmul.f32 v18, v1;
	_ =	sdelay $0x1  }
0x1a4: {  	[tilespmem:v2+s17+$0x0] =	vst.idx.add.f32.msk $0xffff, v18  }
0x1a5: {  	v2 =	vld [tilespmem:$0x210];
	_ =	sdelay $0x1  }
0x1a6: {  	v3 =	vor.u32 $0x80, v3;
	_ =	sdelay $0x2  }
0x1a7: {  	v2 =	vmul.f32 v2, v1;
	_ =	sdelay $0x1  }
0x1a8: {  	[tilespmem:v3+s17+$0x0] =	vst.idx.add.f32.msk $0xffff, v2  }
0x1a9: {  	v2 =	vld [tilespmem:$0x220];
	_ =	sdelay $0x1  }
0x1aa: {  	v3 =	vor.u32 $0x80, v4;
	_ =	sdelay $0x2  }
0x1ab: {  	v2 =	vmul.f32 v2, v1;
	_ =	sdelay $0x1  }
0x1ac: {  	[tilespmem:v3+s17+$0x0] =	vst.idx.add.f32.msk $0xffff, v2  }
0x1ad: {  	v2 =	vld [tilespmem:$0x230];
	_ =	sdelay $0x1  }
0x1ae: {  	v3 =	vor.u32 $0x80, v5;
	_ =	sdelay $0x2  }
0x1af: {  	v2 =	vmul.f32 v2, v1;
	_ =	sdelay $0x1  }
0x1b0: {  	[tilespmem:v3+s17+$0x0] =	vst.idx.add.f32.msk $0xffff, v2  }
0x1b1: {  	v2 =	vld [tilespmem:$0x240];
	_ =	sdelay $0x1  }
0x1b2: {  	v3 =	vor.u32 $0x80, v6;
	_ =	sdelay $0x2  }
0x1b3: {  	v2 =	vmul.f32 v2, v1;
	_ =	sdelay $0x1  }
0x1b4: {  	[tilespmem:v3+s17+$0x0] =	vst.idx.add.f32.msk $0xffff, v2  }
0x1b5: {  	v2 =	vld [tilespmem:$0x250];
	_ =	sdelay $0x1  }
0x1b6: {  	v3 =	vor.u32 $0x80, v7;
	_ =	sdelay $0x2  }
0x1b7: {  	v2 =	vmul.f32 v2, v1;
	_ =	sdelay $0x1  }
0x1b8: {  	[tilespmem:v3+s17+$0x0] =	vst.idx.add.f32.msk $0xffff, v2  }
0x1b9: {  	v2 =	vld [tilespmem:$0x260];
	_ =	sdelay $0x1  }
0x1ba: {  	v3 =	vor.u32 $0x80, v8;
	_ =	sdelay $0x2  }
0x1bb: {  	v2 =	vmul.f32 v2, v1;
	_ =	sdelay $0x1  }
0x1bc: {  	[tilespmem:v3+s17+$0x0] =	vst.idx.add.f32.msk $0xffff, v2  }
0x1bd: {  	v2 =	vld [tilespmem:$0x270];
	_ =	sdelay $0x1  }
0x1be: {  	v3 =	vor.u32 $0x80, v9;
	_ =	sdelay $0x2  }
0x1bf: {  	v2 =	vmul.f32 v2, v1;
	_ =	sdelay $0x1  }
0x1c0: {  	[tilespmem:v3+s17+$0x0] =	vst.idx.add.f32.msk $0xffff, v2  }
0x1c1: {  	v2 =	vld [tilespmem:$0x280];
	_ =	sdelay $0x1  }
0x1c2: {  	v3 =	vor.u32 $0x80, v10;
	_ =	sdelay $0x2  }
0x1c3: {  	v2 =	vmul.f32 v2, v1;
	_ =	sdelay $0x1  }
0x1c4: {  	[tilespmem:v3+s17+$0x0] =	vst.idx.add.f32.msk $0xffff, v2  }
0x1c5: {  	v2 =	vld [tilespmem:$0x290];
	_ =	sdelay $0x1  }
0x1c6: {  	v3 =	vor.u32 $0x80, v11;
	_ =	sdelay $0x2  }
0x1c7: {  	v2 =	vmul.f32 v2, v1;
	_ =	sdelay $0x1  }
0x1c8: {  	[tilespmem:v3+s17+$0x0] =	vst.idx.add.f32.msk $0xffff, v2  }
0x1c9: {  	v2 =	vld [tilespmem:$0x2A0];
	_ =	sdelay $0x1  }
0x1ca: {  	v3 =	vor.u32 $0x80, v12;
	_ =	sdelay $0x2  }
0x1cb: {  	v2 =	vmul.f32 v2, v1;
	_ =	sdelay $0x1  }
0x1cc: {  	[tilespmem:v3+s17+$0x0] =	vst.idx.add.f32.msk $0xffff, v2  }
0x1cd: {  	v2 =	vld [tilespmem:$0x2B0];
	_ =	sdelay $0x1  }
0x1ce: {  	v3 =	vor.u32 $0x80, v13;
	_ =	sdelay $0x2  }
0x1cf: {  	v2 =	vmul.f32 v2, v1;
	_ =	sdelay $0x1  }
0x1d0: {  	[tilespmem:v3+s17+$0x0] =	vst.idx.add.f32.msk $0xffff, v2  }
0x1d1: {  	v2 =	vld [tilespmem:$0x2C0];
	_ =	sdelay $0x1  }
0x1d2: {  	v3 =	vor.u32 $0x80, v14;
	_ =	sdelay $0x2  }
0x1d3: {  	v2 =	vmul.f32 v2, v1;
	_ =	sdelay $0x1  }
0x1d4: {  	[tilespmem:v3+s17+$0x0] =	vst.idx.add.f32.msk $0xffff, v2  }
0x1d5: {  	v2 =	vld [tilespmem:$0x2D0];
	_ =	sdelay $0x1  }
0x1d6: {  	v3 =	vor.u32 $0x80, v15;
	_ =	sdelay $0x2  }
0x1d7: {  	v2 =	vmul.f32 v2, v1;
	_ =	sdelay $0x1  }
0x1d8: {  	[tilespmem:v3+s17+$0x0] =	vst.idx.add.f32.msk $0xffff, v2  }
0x1d9: {  	v2 =	vld [tilespmem:$0x2E0];
	_ =	sdelay $0x1  }
0x1da: {  	v3 =	vor.u32 $0x80, v16;
	_ =	sdelay $0x2  }
0x1db: {  	v2 =	vmul.f32 v2, v1;
	_ =	sdelay $0x1  }
0x1dc: {  	[tilespmem:v3+s17+$0x0] =	vst.idx.add.f32.msk $0xffff, v2  }
0x1dd: {  	v3 =	vld [tilespmem:$0x2F0]  }
.Ltmp1:
0x1de: {  	(pc) =	sbr.rel @p0 .LBB2_4-.Ltmp1, $2  }
0x1df: {  	v2 =	vor.u32 $0x80, v17;
	_ =	sdelay $0x2  }
0x1e0: {  	v1 =	vmul.f32 v3, v1  }
0x1e1: {  	_ =	sdelay $0x3  }
0x1e2: {  	s15 =	simm.s32 $0x0;
	[tilespmem:v2+s17+$0x0] =	vst.idx.add.f32.msk $0xffff, v1  }
0x1e3: {  	v1 =	vld [tilespmem:s15+$0x6300];
	_ =	sdelay $0x4  }
0x1e4: {  	(v2sf) =	vpush v1, $0x0;
	_ =	sdelay $0xe  }
0x1e5: {  	s30 =	spop (v2sf)  }
0x1e6: {  	s15 =	sshll.u32 s30, $0x1  }
0x1e7: {  	s15 =	sand.u32 $0x7FFFFF00, s15  }
0x1e8: {  	s15 =	sadd.s32 s15, s8  }
0x1e9: {  	s15 =	sshrl.u32 s15, $0x3  }
0x1ea: {  	s31 =	simm.s32 $0x1;
	s15 =	sadd.s32 s2, s15  }
0x1eb: {  	[hbm4b:s15+s3] =	stream.linear.scatter [tilespmem:s14], [sflag:$0x1], $0x300, $0x38;
	[tilespmem:$0x6400] =	vst v63  }
0x1ec: {  	s16 =	simm.s32 $0x8;
	s15 =	smov.u32 s8;
	v1 =	vld [tilespmem:s31+$0x6300]  }
.LBB2_6:
0x1ed: {  	p0 =	sne.s32 s16, $0x7C;
	_ =	sdelay $0x3  }
0x1ee: {  	(v2sf) =	vpush v1, $0x0;
	_ =	sdelay $0xe  }
0x1ef: {  	s17 =	spop (v2sf)  }
0x1f0: {  	s17 =	sshll.u32 s17, $0x1  }
0x1f1: {  	s15 =	sadd.s32 $0x8000, s15;
	s17 =	sand.u32 $0x7FFFFF00, s17  }
.Ltmp2:
0x1f2: {  	s17 =	sadd.s32 s17, s15;
	(pc) =	sbr.rel @p0 .LBB2_6-.Ltmp2, $4  }
0x1f3: {  	s17 =	sshrl.u32 s17, $0x3  }
0x1f4: {  	s18 =	sshra.s32 s16, $0x2;
	s14 =	sadd.s32 $0x300, s14;
	s17 =	sadd.s32 s2, s17  }
0x1f5: {  	[hbm4b:s17+s3] =	stream.linear.scatter [tilespmem:s14], [sflag:$0x1], $0x300, $0x38;
	[tilespmem:$0x6400] =	vst v63  }
0x1f6: {  	s16 =	sadd.s32 $0x4, s16;
	v1 =	vld [tilespmem:s18+$0x6300]  }
0x1f7: {  	_ =	sdelay $0x3  }
0x1f8: {  	(v2sf) =	vpush v1, $0x0;
	_ =	sdelay $0xe  }
0x1f9: {  	s16 =	spop (v2sf)  }
0x1fa: {  	s16 =	sshll.u32 s16, $0x1  }
0x1fb: {  	s15 =	sadd.s32 $0x8000, s15;
	s16 =	sand.u32 $0x7FFFFF00, s16  }
0x1fc: {  	s15 =	sadd.s32 s16, s15  }
0x1fd: {  	s15 =	sshrl.u32 s15, $0x3  }
0x1fe: {  	s14 =	sadd.s32 $0x300, s14;
	s15 =	sadd.s32 s2, s15  }
0x1ff: {  	[hbm4b:s15+s3] =	stream.linear.scatter [tilespmem:s14], [sflag:$0x1], $0x300, $0x38;
	[tilespmem:$0x6400] =	vst v63  }
0x200: {  	_ =	swait.ge [sflag:s12], $0x300  }
0x201: {  	[sflag:s12] =	ssyncset.done $0x0  }
0x202: {  	[sflag:s12] =	ssyncadd.s32 $0xFFFFFD00  }
0x203: {  	_ =	swait.ge [sflag:s12], $0x300  }
0x204: {  	[sflag:s12] =	ssyncset.done $0x0  }
0x205: {  	[sflag:s12] =	ssyncadd.s32 $0xFFFFFD00  }
0x206: {  	_ =	swait.ge [sflag:s12], $0x300  }
0x207: {  	[sflag:s12] =	ssyncset.done $0x0  }
0x208: {  	[sflag:s12] =	ssyncadd.s32 $0xFFFFFD00  }
0x209: {  	_ =	swait.ge [sflag:s12], $0x300  }
0x20a: {  	[sflag:s12] =	ssyncset.done $0x0  }
0x20b: {  	[sflag:s12] =	ssyncadd.s32 $0xFFFFFD00  }
0x20c: {  	_ =	swait.ge [sflag:s12], $0x300  }
0x20d: {  	[sflag:s12] =	ssyncset.done $0x0  }
0x20e: {  	[sflag:s12] =	ssyncadd.s32 $0xFFFFFD00  }
0x20f: {  	_ =	swait.ge [sflag:s12], $0x300  }
0x210: {  	[sflag:s12] =	ssyncset.done $0x0  }
0x211: {  	[sflag:s12] =	ssyncadd.s32 $0xFFFFFD00  }
0x212: {  	_ =	swait.ge [sflag:s12], $0x300  }
0x213: {  	[sflag:s12] =	ssyncset.done $0x0  }
0x214: {  	[sflag:s12] =	ssyncadd.s32 $0xFFFFFD00  }
0x215: {  	_ =	swait.ge [sflag:s12], $0x300  }
0x216: {  	[sflag:s12] =	ssyncset.done $0x0  }
0x217: {  	[sflag:s12] =	ssyncadd.s32 $0xFFFFFD00  }
0x218: {  	_ =	swait.ge [sflag:s12], $0x300  }
0x219: {  	[sflag:s12] =	ssyncset.done $0x0  }
0x21a: {  	[sflag:s12] =	ssyncadd.s32 $0xFFFFFD00  }
0x21b: {  	_ =	swait.ge [sflag:s12], $0x300  }
0x21c: {  	[sflag:s12] =	ssyncset.done $0x0  }
0x21d: {  	[sflag:s12] =	ssyncadd.s32 $0xFFFFFD00  }
0x21e: {  	_ =	swait.ge [sflag:s12], $0x300  }
0x21f: {  	[sflag:s12] =	ssyncset.done $0x0  }
0x220: {  	[sflag:s12] =	ssyncadd.s32 $0xFFFFFD00  }
0x221: {  	_ =	swait.ge [sflag:s12], $0x300  }
0x222: {  	[sflag:s12] =	ssyncset.done $0x0  }
0x223: {  	[sflag:s12] =	ssyncadd.s32 $0xFFFFFD00  }
0x224: {  	_ =	swait.ge [sflag:s12], $0x300  }
0x225: {  	[sflag:s12] =	ssyncset.done $0x0  }
0x226: {  	[sflag:s12] =	ssyncadd.s32 $0xFFFFFD00  }
0x227: {  	_ =	swait.ge [sflag:s12], $0x300  }
0x228: {  	[sflag:s12] =	ssyncset.done $0x0  }
0x229: {  	[sflag:s12] =	ssyncadd.s32 $0xFFFFFD00  }
0x22a: {  	_ =	swait.ge [sflag:s12], $0x300  }
0x22b: {  	[sflag:s12] =	ssyncset.done $0x0  }
0x22c: {  	[sflag:s12] =	ssyncadd.s32 $0xFFFFFD00  }
0x22d: {  	_ =	swait.ge [sflag:s12], $0x300  }
0x22e: {  	[sflag:s12] =	ssyncset.done $0x0  }
0x22f: {  	[sflag:s12] =	ssyncadd.s32 $0xFFFFFD00  }
0x230: {  	_ =	swait.ge [sflag:s12], $0x300  }
0x231: {  	[sflag:s12] =	ssyncset.done $0x0  }
0x232: {  	[sflag:s12] =	ssyncadd.s32 $0xFFFFFD00  }
0x233: {  	_ =	swait.ge [sflag:s12], $0x300  }
0x234: {  	[sflag:s12] =	ssyncset.done $0x0  }
0x235: {  	[sflag:s12] =	ssyncadd.s32 $0xFFFFFD00  }
0x236: {  	_ =	swait.ge [sflag:s12], $0x300  }
0x237: {  	[sflag:s12] =	ssyncset.done $0x0  }
0x238: {  	[sflag:s12] =	ssyncadd.s32 $0xFFFFFD00  }
0x239: {  	_ =	swait.ge [sflag:s12], $0x300  }
0x23a: {  	[sflag:s12] =	ssyncset.done $0x0  }
0x23b: {  	[sflag:s12] =	ssyncadd.s32 $0xFFFFFD00  }
0x23c: {  	_ =	swait.ge [sflag:s12], $0x300  }
0x23d: {  	[sflag:s12] =	ssyncset.done $0x0  }
0x23e: {  	[sflag:s12] =	ssyncadd.s32 $0xFFFFFD00  }
0x23f: {  	_ =	swait.ge [sflag:s12], $0x300  }
0x240: {  	[sflag:s12] =	ssyncset.done $0x0  }
0x241: {  	[sflag:s12] =	ssyncadd.s32 $0xFFFFFD00  }
0x242: {  	_ =	swait.ge [sflag:s12], $0x300  }
0x243: {  	[sflag:s12] =	ssyncset.done $0x0  }
0x244: {  	[sflag:s12] =	ssyncadd.s32 $0xFFFFFD00  }
0x245: {  	_ =	swait.ge [sflag:s12], $0x300  }
0x246: {  	[sflag:s12] =	ssyncset.done $0x0  }
0x247: {  	[sflag:s12] =	ssyncadd.s32 $0xFFFFFD00  }
0x248: {  	_ =	swait.ge [sflag:s12], $0x300  }
0x249: {  	[sflag:s12] =	ssyncset.done $0x0  }
0x24a: {  	[sflag:s12] =	ssyncadd.s32 $0xFFFFFD00  }
0x24b: {  	_ =	swait.ge [sflag:s12], $0x300  }
0x24c: {  	[sflag:s12] =	ssyncset.done $0x0  }
0x24d: {  	[sflag:s12] =	ssyncadd.s32 $0xFFFFFD00  }
0x24e: {  	_ =	swait.ge [sflag:s12], $0x300  }
0x24f: {  	[sflag:s12] =	ssyncset.done $0x0  }
0x250: {  	[sflag:s12] =	ssyncadd.s32 $0xFFFFFD00  }
0x251: {  	_ =	swait.ge [sflag:s12], $0x300  }
0x252: {  	[sflag:s12] =	ssyncset.done $0x0  }
0x253: {  	[sflag:s12] =	ssyncadd.s32 $0xFFFFFD00  }
0x254: {  	_ =	swait.ge [sflag:s12], $0x300  }
0x255: {  	[sflag:s12] =	ssyncset.done $0x0  }
0x256: {  	[sflag:s12] =	ssyncadd.s32 $0xFFFFFD00  }
0x257: {  	_ =	swait.ge [sflag:s12], $0x300  }
0x258: {  	[sflag:s12] =	ssyncset.done $0x0  }
0x259: {  	s13 =	sadd.s32 $0x1, s13;
	[sflag:s12] =	ssyncadd.s32 $0xFFFFFD00  }
0x25a: {  	p0 =	sne.s32 s13, s7;
	_ =	swait.ge [sflag:s12], $0x300  }
.Ltmp3:
0x25b: {  	[sflag:s12] =	ssyncset.done $0x0;
	(pc) =	sbr.rel @p0 .LBB2_1-.Ltmp3, $4  }
0x25c: {  	[sflag:s12] =	ssyncadd.s32 $0xFFFFFD00  }
0x25d: {  	_ =	swait.ge [sflag:s12], $0x300  }
0x25e: {  	[sflag:s12] =	ssyncset.done $0x0  }
0x25f: {  	[sflag:s12] =	ssyncadd.s32 $0xFFFFFD00  }
0x260: {  	_ =	sfence.sel $0x180000  }
0x261: {  	[bflag:$0x0] =	sbarrier.arrive $0xFFFF  }
0x262: {  	p0 =	sne.s32 s1, $0x0;
	_ =	strace $0x90000047  }
0x263: {  	s0 =	sadd.s32 @!p0 $0x100000, s0;
	[bflag:$0x2] =	sbarrier.arrive $0xFFFF  }
0x264: {  	[sflag:s0] =	ssyncadd.tile.s32 @!p0 $0x1;
	_ =	shalt  }
.Lfunc_end2:
_tile_overlayer_lowered:
.L_overlay_start_2:
0x265: {  	(tag) =	ssettag $0x2  }
0x266: {  	s0 =	rddreg [dreg:$0x0];
	s2 =	stileid.u32  }
0x267: {  	s1 =	rddreg [dreg:$0x1];
	p0 =	sne.s32 s2, $0x0  }
0x268: {  	s3 =	rddreg [dreg:$0x2];
	[bflag:$0x3] =	sbarrier.arrive $0xFFFF;
	s2 =	simm.s32 @!p0 $0x1C02  }
0x269: {  	[timem:s3], [sflag:s2] =	dma.local @!p0 [hbm:s0], s1  }
0x26a: {  	s0 =	simm.s32 @!p0 $0x2  }
0x26b: {  	_ =	swait.ge @!p0 [sflag:s0], s1  }
0x26c: {  	s1 =	ssub.s32 @!p0 $0x0, s1;
	[sflag:s0] =	ssyncset.done @!p0 $0x0  }
0x26d: {  	[sflag:s0] =	ssyncadd.s32 @!p0 s1  }
0x26e: {  	[bflag:$0x3] =	sbarrier.arrive $0xFFFF  }
0x26f: {  	_ =	shalt  }

</sc_bundles>
